<compile_context>
chip_gen: v7x
topology: tpu7x:2x2x1
jax: 0.10.2.dev20260603
libtpu: 0.0.44.dev20260713+nightly
codegen_flags: <defaults>
</compile_context>

<pallas_src>
import functools

import jax
import jax.numpy as jnp
from jax import lax
from jax.experimental import pallas as pl
from jax.experimental.pallas import tpu as pltpu
from jax.experimental.pallas import tpu_sc as plsc

_B, _C, _N, _K, _DO = 4, 64, 2048, 20, 128
_R = 256
_NB = 128
_NBK = _NB * _K
_TOT = _B * _N * _K
_G = 128


def _sq_body(xb_ref, sq_ref):
    xb = xb_ref[0]
    xsq = xb * xb
    sq_ref[0] = jnp.sum(xsq, axis=0, keepdims=True)


def _run_sq(x):
    return pl.pallas_call(
        _sq_body,
        grid=(_B,),
        in_specs=[pl.BlockSpec((1, _C, _N), lambda b: (b, 0, 0))],
        out_specs=pl.BlockSpec((1, 1, _N), lambda b: (b, 0, 0)),
        out_shape=jax.ShapeDtypeStruct((_B, 1, _N), jnp.float32),
    )(x)


def _topk_proj_body(xt_ref, xb_ref, xxr_ref, xxc_ref, awt_ref, bwt_ref,
                    idx_ref, dist_ref, ut_ref, vt_ref, p_scr):
    b = pl.program_id(0)
    xt = xt_ref[0]
    xb = xb_ref[0]
    inner = lax.dot_general(xt, xb, (((1,), (0,)), ((), ())),
                            preferred_element_type=jnp.float32)
    p_scr[...] = (2.0 * inner - xxr_ref[0]) - xxc_ref[0]
    iota = lax.broadcasted_iota(jnp.int32, (_R, _N), 1)
    vals, inds = [], []
    for _t in range(_K):
        p = p_scr[...]
        m = jnp.max(p, axis=1, keepdims=True)
        pos = jnp.argmax(p, axis=1).astype(jnp.int32).reshape(_R, 1)
        vals.append(m)
        inds.append(pos)
        p_scr[...] = jnp.where(iota == pos, -jnp.inf, p)
    dist_ref[0] = jnp.concatenate(vals, axis=1)
    idx_ref[0] = jnp.concatenate(inds, axis=1) + b * _N
    ut_ref[...] = lax.dot_general(xt, awt_ref[...], (((1,), (0,)), ((), ())),
                                  preferred_element_type=jnp.float32,
                                  precision=lax.Precision.HIGHEST)
    vt_ref[...] = lax.dot_general(xt, bwt_ref[...], (((1,), (0,)), ((), ())),
                                  preferred_element_type=jnp.float32,
                                  precision=lax.Precision.HIGHEST)


def _run_topk_proj(xT, x, xxr, xxc, awt, bwt):
    nblk = _N // _R
    return pl.pallas_call(
        _topk_proj_body,
        grid=(_B, nblk),
        in_specs=[
            pl.BlockSpec((1, _R, _C), lambda b, r: (b, r, 0)),
            pl.BlockSpec((1, _C, _N), lambda b, r: (b, 0, 0)),
            pl.BlockSpec((1, 1, _N), lambda b, r: (b, 0, 0)),
            pl.BlockSpec((1, _R, 1), lambda b, r: (b, r, 0)),
            pl.BlockSpec((_C, _DO), lambda b, r: (0, 0)),
            pl.BlockSpec((_C, _DO), lambda b, r: (0, 0)),
        ],
        out_specs=[
            pl.BlockSpec((1, _R, _K), lambda b, r: (b, r, 0)),
            pl.BlockSpec((1, _R, _K), lambda b, r: (b, r, 0)),
            pl.BlockSpec((_R, _DO), lambda b, r: (b * (_N // _R) + r, 0)),
            pl.BlockSpec((_R, _DO), lambda b, r: (b * (_N // _R) + r, 0)),
        ],
        out_shape=[
            jax.ShapeDtypeStruct((_B, _N, _K), jnp.int32),
            jax.ShapeDtypeStruct((_B, _N, _K), jnp.float32),
            jax.ShapeDtypeStruct((_B * _N, _DO), jnp.float32),
            jax.ShapeDtypeStruct((_B * _N, _DO), jnp.float32),
        ],
        scratch_shapes=[pltpu.VMEM((_R, _N), jnp.float32)],
    )(xT, x, xxr, xxc, awt, bwt)


def _sc_gather_body(nw, vt_hbm, idx_hbm, out_hbm, idx_v, rows_v, sem):
    t_per_w = _TOT // nw
    wid = lax.axis_index("s") * 2 + lax.axis_index("c")
    base = wid * t_per_w

    @pl.loop(0, t_per_w // _G)
    def _(i):
        off = base + i * _G
        pltpu.sync_copy(idx_hbm.at[pl.ds(off, _G)], idx_v)
        pltpu.async_copy(vt_hbm.at[idx_v], rows_v, sem).wait()
        pltpu.sync_copy(rows_v, out_hbm.at[pl.ds(off, _G)])


def _run_sc_gather(vt, idx_flat):
    info = plsc.get_sparse_core_info()
    nc, ns = info.num_cores, info.num_subcores
    mesh = plsc.VectorSubcoreMesh(core_axis_name="c", subcore_axis_name="s")
    body = functools.partial(_sc_gather_body, nc * ns)
    k = pl.kernel(
        body,
        out_type=jax.ShapeDtypeStruct((_TOT, _DO), jnp.float32),
        mesh=mesh,
        scratch_types=[
            pltpu.VMEM((_G,), jnp.int32),
            pltpu.VMEM((_G, _DO), jnp.float32),
            pltpu.SemaphoreType.DMA,
        ],
    )
    return k(vt, idx_flat)


def _stats_body(tmp_ref, ut_ref, d_ref, e_ref, s4_ref, out_ref):
    i = pl.program_id(0)
    u_exp = lax.dot_general(e_ref[...], ut_ref[...], (((1,), (0,)), ((), ())),
                            preferred_element_type=jnp.float32,
                            precision=lax.Precision.HIGHEST)
    d16 = d_ref[...].astype(jnp.bfloat16).astype(jnp.float32)
    y = tmp_ref[...] + u_exp + d16 * s4_ref[...]
    blk = jnp.concatenate([jnp.sum(y, axis=0, keepdims=True),
                           jnp.sum(y * y, axis=0, keepdims=True)], axis=0)

    @pl.when(i == 0)
    def _():
        out_ref[...] = blk

    @pl.when(i > 0)
    def _():
        out_ref[...] += blk


def _run_stats(tmp, ut, dcol, e, s4r):
    nblk = _TOT // _NBK
    return pl.pallas_call(
        _stats_body,
        grid=(nblk,),
        in_specs=[
            pl.BlockSpec((_NBK, _DO), lambda i: (i, 0)),
            pl.BlockSpec((_NB, _DO), lambda i: (i, 0)),
            pl.BlockSpec((_NBK, 1), lambda i: (i, 0)),
            pl.BlockSpec((_NBK, _NB), lambda i: (0, 0)),
            pl.BlockSpec((1, _DO), lambda i: (0, 0)),
        ],
        out_specs=pl.BlockSpec((2, _DO), lambda i: (0, 0)),
        out_shape=jax.ShapeDtypeStruct((2, _DO), jnp.float32),
    )(tmp, ut, dcol, e, s4r)


def _emit_body(tmp_ref, ut_ref, d_ref, e_ref, s4_ref, st_ref, g_ref, be_ref,
               out_ref):
    st = st_ref[...]
    mean = st[0:1, :] * (1.0 / _TOT)
    var = st[1:2, :] * (1.0 / _TOT) - mean * mean
    scale = g_ref[...] * lax.rsqrt(var + 1e-5)
    bias = be_ref[...] - mean * scale
    u_exp = lax.dot_general(e_ref[...], ut_ref[...], (((1,), (0,)), ((), ())),
                            preferred_element_type=jnp.float32,
                            precision=lax.Precision.HIGHEST)
    d16 = d_ref[...].astype(jnp.bfloat16).astype(jnp.float32)
    y = tmp_ref[...] + u_exp + d16 * s4_ref[...]
    z = y * scale + bias
    z = jnp.where(z > 0, z, 0.2 * z)
    out_ref[0] = z.T


def _run_emit(tmp, ut, dcol, e, s4r, stats, gr, br):
    nblk = _N // _NB
    return pl.pallas_call(
        _emit_body,
        grid=(_B, nblk),
        in_specs=[
            pl.BlockSpec((_NBK, _DO), lambda b, r: (b * (_N // _NB) + r, 0)),
            pl.BlockSpec((_NB, _DO), lambda b, r: (b * (_N // _NB) + r, 0)),
            pl.BlockSpec((_NBK, 1), lambda b, r: (b * (_N // _NB) + r, 0)),
            pl.BlockSpec((_NBK, _NB), lambda b, r: (0, 0)),
            pl.BlockSpec((1, _DO), lambda b, r: (0, 0)),
            pl.BlockSpec((2, _DO), lambda b, r: (0, 0)),
            pl.BlockSpec((1, _DO), lambda b, r: (0, 0)),
            pl.BlockSpec((1, _DO), lambda b, r: (0, 0)),
        ],
        out_specs=pl.BlockSpec((1, _DO, _NBK), lambda b, r: (b, 0, r)),
        out_shape=jax.ShapeDtypeStruct((_B, _DO, _N * _K), jnp.float32),
    )(tmp, ut, dcol, e, s4r, stats, gr, br)


def kernel(features, W, gamma, beta):
    x = jnp.squeeze(features, -1)
    xT = jnp.swapaxes(x, 1, 2)
    w = W.reshape(_DO, 4 * _C)
    awt = (w[:, :_C] - w[:, 2 * _C:3 * _C]).T
    bwt = (w[:, _C:2 * _C] + w[:, 2 * _C:3 * _C]).T
    w4bits = lax.bitcast_convert_type(w[:, 3 * _C:], jnp.int32)
    w4r = w4bits + jnp.int32(0x7FFF) + jnp.bitwise_and(
        lax.shift_right_logical(w4bits, 16), jnp.int32(1))
    w4b = lax.bitcast_convert_type(
        jnp.bitwise_and(w4r, jnp.int32(-65536)), jnp.float32)
    s4r = jnp.sum(w4b, axis=1).reshape(1, _DO)

    sq = _run_sq(x)
    idx, dist, ut, vt = _run_topk_proj(
        xT, x, sq.reshape(_B, 1, _N), sq.reshape(_B, _N, 1), awt, bwt)
    tmp = _run_sc_gather(vt, idx.reshape(_TOT))

    dcol = dist.reshape(_TOT, 1)
    rows = lax.broadcasted_iota(jnp.int32, (_NBK, _NB), 0) // _K
    cols = lax.broadcasted_iota(jnp.int32, (_NBK, _NB), 1)
    e = (rows == cols).astype(jnp.float32)

    stats = _run_stats(tmp, ut, dcol, e, s4r)
    out3 = _run_emit(tmp, ut, dcol, e, s4r, stats,
                     gamma.reshape(1, _DO), beta.reshape(1, _DO))
    return out3.reshape(_B, _DO, _N, _K)

# --- scband reference (transcript-rebuilt; emitter-appended) ---
"""Pipeline reference for scband-knn-feature-28475633173115 (READ-ONLY COPY).

The authoritative reference and input builder live on the scoring server;
editing this copy changes nothing except your own understanding.
"""

import jax, jax.numpy as jnp
import numpy as np

B, D_IN, N, K_NN, D_OUT = 4, 64, 2048, 20, 128

def setup_inputs(seed: int = 0):
    key = jax.random.key(seed)
    k1, k2, k3 = jax.random.split(key, 3)
    features = jax.random.normal(k1, (B, D_IN, N, 1), dtype=jnp.float32)
    W = jax.random.normal(k2, (D_OUT, 4 * D_IN, 1, 1), dtype=jnp.float32) * 0.05
    gamma = jnp.ones((D_OUT,), dtype=jnp.float32)
    beta = jnp.zeros((D_OUT,), dtype=jnp.float32)
    return {"features": features, "W": W, "gamma": gamma, "beta": beta}

def _knn(x, k):
    # x: [B, N, C]
    xt = jnp.swapaxes(x, 1, 2)  # [B, C, N]
    inner = -2.0 * jnp.matmul(jnp.swapaxes(xt, 2, 1), xt)  # [B, N, N]
    xx = jnp.sum(xt ** 2, axis=1, keepdims=True)  # [B, 1, N]
    pairwise = -xx - inner - jnp.swapaxes(xx, 2, 1)  # negative squared distance
    dist, idx = jax.lax.top_k(pairwise, k)
    return idx, dist

def _knn_feature(x, k):
    # x: [B, C, N]
    b, c, n = x.shape
    idx, dist = _knn(jnp.swapaxes(x, 1, 2), k)
    idx_base = jnp.arange(b).reshape(-1, 1, 1) * n
    flat_idx = (idx + idx_base).reshape(-1)
    xT = jnp.swapaxes(x, 2, 1)  # [B, N, C]
    feature = xT.reshape(b * n, c)[flat_idx, :].reshape(b, n, k, c)
    xe = jnp.broadcast_to(xT.reshape(b, n, 1, c), (b, n, k, c))
    d = jnp.broadcast_to(dist.reshape(b, n, k, 1), (b, n, k, c))
    feat = jnp.concatenate((xe, feature, feature - xe, d), axis=3)  # [B, N, k, 4C]
    return jnp.transpose(feat, (0, 3, 1, 2))  # [B, 4C, N, k]

def reference(features, W, gamma, beta):
    x = jnp.squeeze(features, -1)  # [B, C, N]
    f = _knn_feature(x, K_NN)  # [B, 4C, N, k]
    w = W.reshape(D_OUT, 4 * D_IN)
    y = jnp.einsum('oc,bcnk->bonk', w, f)  # 1x1 conv, no bias
    # BatchNorm2d in training mode (batch statistics, biased variance)
    mean = jnp.mean(y, axis=(0, 2, 3), keepdims=True)
    var = jnp.var(y, axis=(0, 2, 3), keepdims=True)
    yn = (y - mean) / jnp.sqrt(var + 1e-5)
    yn = yn * gamma.reshape(1, -1, 1, 1) + beta.reshape(1, -1, 1, 1)
    return jnp.where(yn > 0, yn, 0.2 * yn)

if __name__ == "__main__":
    import jax
    _d = setup_inputs()
    print(jax.jit(kernel)(*tuple(_d.values())))

</pallas_src>

<mosaic_0001>
#map = affine_map<(d0, d1) -> (0, 0)>
#map1 = affine_map<(d0, d1) -> (0)>
module attributes {stable_mosaic.version = 14 : i64} {
  func.func @_sc_gather_body(%arg0: i32, %arg1: i32, %arg2: memref<8192x128xf32, #tpu.memory_space<hbm>>, %arg3: memref<163840xi32, #tpu.memory_space<hbm>>, %arg4: memref<163840x128xf32, #tpu.memory_space<hbm>>, %arg5: memref<128xi32, #tpu.memory_space<vmem>>, %arg6: memref<128x128xf32, #tpu.memory_space<vmem>>, %arg7: memref<!tpu.dma_semaphore, #tpu.memory_space<semaphore_mem>>) attributes {dimension_semantics = [#tpu.dimension_semantics<core_parallel>, #tpu.dimension_semantics<subcore_parallel>], iteration_bounds = array<i64: 2, 16>, scalar_prefetch = 0 : i64, scratch_operands = 3 : i64, tpu.core_type = #tpu.core_type<sc_vector_subcore>, window_params = [{transform_indices = #map}, {transform_indices = #map1}, {transform_indices = #map}]} {
    %mul3A = arith.constant 2 : i32
    %mul3A_0 = arith.muli %arg1, %mul3A : i32
    %add3A = arith.addi %mul3A_0, %arg0 : i32
    %mul3A_1 = arith.constant 5120 : i32
    %mul3A_2 = arith.muli %add3A, %mul3A_1 : i32
    %scan3A = arith.constant 0 : i32
    %scan3A_3 = arith.constant 40 : i32
    %scan3A_4 = arith.addi %scan3A, %scan3A_3 : i32
    %scan3A_5 = arith.constant 1 : i32
    scf.for %scan3A_7 = %scan3A to %scan3A_4 step %scan3A_5  : i32 {
      %mul3A_8 = arith.constant 1 : i32
      %mul3A_9 = arith.muli %scan3A_7, %mul3A_8 : i32
      %add3A_10 = arith.constant 0 : i32
      %add3A_11 = arith.addi %add3A_10, %mul3A_9 : i32
      %mul3A_12 = arith.constant 128 : i32
      %mul3A_13 = arith.muli %add3A_11, %mul3A_12 : i32
      %add3A_14 = arith.addi %mul3A_2, %mul3A_13 : i32
      "tpu.region"() ({
        %run_scoped3A = tpu.sem_alloc : memref<!tpu.dma_semaphore, #tpu.memory_space<semaphore_mem>>
        %dma_start3A_19 = tpu.memref_slice %arg3[%add3A_14] : memref<163840xi32, #tpu.memory_space<hbm>> -> memref<128xi32, #tpu.memory_space<hbm>>
        %dma_start3A_20 = tpu.memref_slice %arg3[%add3A_14] : memref<163840xi32, #tpu.memory_space<hbm>> -> memref<128xi32, #tpu.memory_space<hbm>>
        tpu.enqueue_dma source(%dma_start3A_20 : memref<128xi32, #tpu.memory_space<hbm>>) target(%arg5 : memref<128xi32, #tpu.memory_space<vmem>>) target_semaphore(%run_scoped3A : memref<!tpu.dma_semaphore, #tpu.memory_space<semaphore_mem>>)
        %dma_wait3A_21 = tpu.memref_slice %arg3[%add3A_14] : memref<163840xi32, #tpu.memory_space<hbm>> -> memref<128xi32, #tpu.memory_space<hbm>>
        %dma_wait3A_22 = tpu.memref_slice %arg3[%add3A_14] : memref<163840xi32, #tpu.memory_space<hbm>> -> memref<128xi32, #tpu.memory_space<hbm>>
        tpu.wait_dma2 semaphore(%run_scoped3A : memref<!tpu.dma_semaphore, #tpu.memory_space<semaphore_mem>>) src(%dma_wait3A_22 : memref<128xi32, #tpu.memory_space<hbm>>) dst(%arg5 : memref<128xi32, #tpu.memory_space<vmem>>)
        tpu.yield
      }) : () -> ()
      %dma_start3A = arith.constant 0 : i32
      %dma_start3A_15 = arith.constant 0 : i32
      %dma_start3A_16 = tpu.memref_slice %arg2[%dma_start3A, %dma_start3A_15] : memref<8192x128xf32, #tpu.memory_space<hbm>> -> memref<8192x128xf32, #tpu.memory_space<hbm>>
      tpu.enqueue_indirect_dma source(%dma_start3A_16 : memref<8192x128xf32, #tpu.memory_space<hbm>>) target(%arg6 : memref<128x128xf32, #tpu.memory_space<vmem>>) offsets(%arg5 : memref<128xi32, #tpu.memory_space<vmem>>) semaphore(%arg7 : memref<!tpu.dma_semaphore, #tpu.memory_space<semaphore_mem>>)
      %dma_wait3A = arith.constant 0 : i32
      %dma_wait3A_17 = arith.constant 0 : i32
      %dma_wait3A_18 = tpu.memref_slice %arg2[%dma_wait3A, %dma_wait3A_17] : memref<8192x128xf32, #tpu.memory_space<hbm>> -> memref<8192x128xf32, #tpu.memory_space<hbm>>
      tpu.wait_indirect_dma semaphore(%arg7 : memref<!tpu.dma_semaphore, #tpu.memory_space<semaphore_mem>>) src(%dma_wait3A_18 : memref<8192x128xf32, #tpu.memory_space<hbm>>) dst(%arg6 : memref<128x128xf32, #tpu.memory_space<vmem>>)
      "tpu.region"() ({
        %run_scoped3A = tpu.sem_alloc : memref<!tpu.dma_semaphore, #tpu.memory_space<semaphore_mem>>
        %dma_start3A_19 = arith.constant 0 : i32
        %dma_start3A_20 = tpu.memref_slice %arg4[%add3A_14, %dma_start3A_19] : memref<163840x128xf32, #tpu.memory_space<hbm>> -> memref<128x128xf32, #tpu.memory_space<hbm>>
        %dma_start3A_21 = arith.constant 0 : i32
        %dma_start3A_22 = tpu.memref_slice %arg4[%add3A_14, %dma_start3A_21] : memref<163840x128xf32, #tpu.memory_space<hbm>> -> memref<128x128xf32, #tpu.memory_space<hbm>>
        tpu.enqueue_dma source(%arg6 : memref<128x128xf32, #tpu.memory_space<vmem>>) target(%dma_start3A_22 : memref<128x128xf32, #tpu.memory_space<hbm>>) target_semaphore(%run_scoped3A : memref<!tpu.dma_semaphore, #tpu.memory_space<semaphore_mem>>)
        %dma_wait3A_23 = arith.constant 0 : i32
        %dma_wait3A_24 = tpu.memref_slice %arg4[%add3A_14, %dma_wait3A_23] : memref<163840x128xf32, #tpu.memory_space<hbm>> -> memref<128x128xf32, #tpu.memory_space<hbm>>
        %dma_wait3A_25 = arith.constant 0 : i32
        %dma_wait3A_26 = tpu.memref_slice %arg4[%add3A_14, %dma_wait3A_25] : memref<163840x128xf32, #tpu.memory_space<hbm>> -> memref<128x128xf32, #tpu.memory_space<hbm>>
        tpu.wait_dma2 semaphore(%run_scoped3A : memref<!tpu.dma_semaphore, #tpu.memory_space<semaphore_mem>>) src(%arg6 : memref<128x128xf32, #tpu.memory_space<vmem>>) dst(%dma_wait3A_26 : memref<128x128xf32, #tpu.memory_space<hbm>>)
        tpu.yield
      }) : () -> ()
    }
    %scan3A_6 = arith.constant 40 : i32
    return
  }
}

module attributes {stable_mosaic.version = 14 : i64} {
  func.func @_sq_body(%arg0: i32, %arg1: memref<1x64x2048xf32, #tpu.memory_space<vmem>>, %arg2: memref<1x1x2048xf32, #tpu.memory_space<vmem>>) attributes {dimension_semantics = [#tpu.dimension_semantics<arbitrary>], iteration_bounds = array<i64: 4>, scalar_prefetch = 0 : i64, scratch_operands = 0 : i64, tpu.core_type = #tpu.core_type<tc>, window_params = [{transform_indices = @transform_0, window_bounds = array<i64: 1, 64, 2048>}, {transform_indices = @transform_1, window_bounds = array<i64: 1, 1, 2048>}]} {
    %get3A = arith.constant 0 : index
    %get3A_0 = arith.constant 0 : index
    %get3A_1 = arith.constant 0 : index
    %get3A_2 = vector.load %arg1[%get3A, %get3A_0, %get3A_1] : memref<1x64x2048xf32, #tpu.memory_space<vmem>>, vector<1x64x2048xf32>
    %get3A_3 = vector.shape_cast %get3A_2 : vector<1x64x2048xf32> to vector<64x2048xf32>
    %mul3A = arith.mulf %get3A_3, %get3A_3 : vector<64x2048xf32>
    %reduce_sum3A = arith.constant dense<0.000000e+00> : vector<2048xf32>
    %reduce_sum3A_4 = vector.multi_reduction <add>, %mul3A, %reduce_sum3A [0] : vector<64x2048xf32> to vector<2048xf32>
    %broadcast_in_dim3A = vector.shape_cast %reduce_sum3A_4 : vector<2048xf32> to vector<1x2048xf32>
    %swap3A = arith.constant 0 : index
    %swap3A_5 = arith.constant 0 : index
    %swap3A_6 = arith.constant 0 : index
    %swap3A_7 = vector.load %arg2[%swap3A, %swap3A_5, %swap3A_6] : memref<1x1x2048xf32, #tpu.memory_space<vmem>>, vector<1x1x2048xf32>
    %swap3A_8 = vector.shape_cast %swap3A_7 : vector<1x1x2048xf32> to vector<1x2048xf32>
    %swap3A_9 = vector.shape_cast %broadcast_in_dim3A : vector<1x2048xf32> to vector<1x1x2048xf32>
    tpu.vector_store %arg2[%swap3A, %swap3A_5, %swap3A_6], %swap3A_9 {strides = array<i32>} : memref<1x1x2048xf32, #tpu.memory_space<vmem>>, vector<1x1x2048xf32>,
    return
  }
  func.func @transform_0(%arg0: i32) -> (i32, i32, i32) {
    %c0_i32 = arith.constant 0 : i32
    %c0_i32_0 = arith.constant 0 : i32
    %c0_i32_1 = arith.constant 0 : i32
    return %arg0, %c0_i32, %c0_i32_0 : i32, i32, i32
  }
  func.func @transform_1(%arg0: i32) -> (i32, i32, i32) {
    %c0_i32 = arith.constant 0 : i32
    %c0_i32_0 = arith.constant 0 : i32
    %c0_i32_1 = arith.constant 0 : i32
    return %arg0, %c0_i32, %c0_i32_0 : i32, i32, i32
  }
}

module attributes {stable_mosaic.version = 14 : i64} {
  func.func @_topk_proj_body(%arg0: i32, %arg1: i32, %arg2: memref<1x256x64xf32, #tpu.memory_space<vmem>>, %arg3: memref<1x64x2048xf32, #tpu.memory_space<vmem>>, %arg4: memref<1x1x2048xf32, #tpu.memory_space<vmem>>, %arg5: memref<1x256x1xf32, #tpu.memory_space<vmem>>, %arg6: memref<64x128xf32, #tpu.memory_space<vmem>>, %arg7: memref<64x128xf32, #tpu.memory_space<vmem>>, %arg8: memref<1x256x20xi32, #tpu.memory_space<vmem>>, %arg9: memref<1x256x20xf32, #tpu.memory_space<vmem>>, %arg10: memref<256x128xf32, #tpu.memory_space<vmem>>, %arg11: memref<256x128xf32, #tpu.memory_space<vmem>>, %arg12: memref<256x2048xf32, #tpu.memory_space<vmem>>) attributes {dimension_semantics = [#tpu.dimension_semantics<arbitrary>, #tpu.dimension_semantics<arbitrary>], iteration_bounds = array<i64: 4, 8>, scalar_prefetch = 0 : i64, scratch_operands = 1 : i64, tpu.core_type = #tpu.core_type<tc>, window_params = [{transform_indices = @transform_0, window_bounds = array<i64: 1, 256, 64>}, {transform_indices = @transform_1, window_bounds = array<i64: 1, 64, 2048>}, {transform_indices = @transform_2, window_bounds = array<i64: 1, 1, 2048>}, {transform_indices = @transform_3, window_bounds = array<i64: 1, 256, 1>}, {pipeline_mode = #tpu.pipeline_mode<synchronous>, transform_indices = @transform_4, window_bounds = array<i64: 64, 128>}, {pipeline_mode = #tpu.pipeline_mode<synchronous>, transform_indices = @transform_5, window_bounds = array<i64: 64, 128>}, {transform_indices = @transform_6, window_bounds = array<i64: 1, 256, 20>}, {transform_indices = @transform_7, window_bounds = array<i64: 1, 256, 20>}, {transform_indices = @transform_8, window_bounds = array<i64: 256, 128>}, {transform_indices = @transform_9, window_bounds = array<i64: 256, 128>}]} {
    %get3A = arith.constant 0 : index
    %get3A_0 = arith.constant 0 : index
    %get3A_1 = arith.constant 0 : index
    %get3A_2 = vector.load %arg2[%get3A, %get3A_0, %get3A_1] : memref<1x256x64xf32, #tpu.memory_space<vmem>>, vector<1x256x64xf32>
    %get3A_3 = vector.shape_cast %get3A_2 : vector<1x256x64xf32> to vector<256x64xf32>
    %get3A_4 = arith.constant 0 : index
    %get3A_5 = arith.constant 0 : index
    %get3A_6 = arith.constant 0 : index
    %get3A_7 = vector.load %arg3[%get3A_4, %get3A_5, %get3A_6] : memref<1x64x2048xf32, #tpu.memory_space<vmem>>, vector<1x64x2048xf32>
    %get3A_8 = vector.shape_cast %get3A_7 : vector<1x64x2048xf32> to vector<64x2048xf32>
    %dot_general3A = arith.constant dense<0.000000e+00> : vector<256x2048xf32>
    %dot_general3A_9 = tpu.matmul %get3A_3, %get3A_8, %dot_general3A {dimension_numbers = #tpu.dot_dimension_numbers<[1], [0], [0], [1], [0, 0, 1, 1], [], []>, transpose_lhs_hint = false} : vector<256x64xf32>, vector<64x2048xf32>, vector<256x2048xf32> -> vector<256x2048xf32>
    %mul3A = arith.constant 2.000000e+00 : f32
    %mul3A_10 = vector.broadcast %mul3A : f32 to vector<256x2048xf32>
    %mul3A_11 = arith.mulf %mul3A_10, %dot_general3A_9 : vector<256x2048xf32>
    %get3A_12 = arith.constant 0 : index
    %get3A_13 = arith.constant 0 : index
    %get3A_14 = arith.constant 0 : index
    %get3A_15 = vector.load %arg4[%get3A_12, %get3A_13, %get3A_14] : memref<1x1x2048xf32, #tpu.memory_space<vmem>>, vector<1x1x2048xf32>
    %get3A_16 = vector.shape_cast %get3A_15 : vector<1x1x2048xf32> to vector<1x2048xf32>
    %sub3A = vector.broadcast %get3A_16 : vector<1x2048xf32> to vector<256x2048xf32>
    %sub3A_17 = arith.subf %mul3A_11, %sub3A : vector<256x2048xf32>
    %get3A_18 = arith.constant 0 : index
    %get3A_19 = arith.constant 0 : index
    %get3A_20 = arith.constant 0 : index
    %get3A_21 = vector.load %arg5[%get3A_18, %get3A_19, %get3A_20] : memref<1x256x1xf32, #tpu.memory_space<vmem>>, vector<1x256x1xf32>
    %get3A_22 = vector.shape_cast %get3A_21 : vector<1x256x1xf32> to vector<256x1xf32>
    %sub3A_23 = vector.broadcast %get3A_22 : vector<256x1xf32> to vector<256x2048xf32>
    %sub3A_24 = arith.subf %sub3A_17, %sub3A_23 : vector<256x2048xf32>
    %swap3A = arith.constant 0 : index
    %swap3A_25 = arith.constant 0 : index
    %swap3A_26 = vector.load %arg12[%swap3A, %swap3A_25] : memref<256x2048xf32, #tpu.memory_space<vmem>>, vector<256x2048xf32>
    tpu.vector_store %arg12[%swap3A, %swap3A_25], %sub3A_24 {strides = array<i32>} : memref<256x2048xf32, #tpu.memory_space<vmem>>, vector<256x2048xf32>,
    %iota3A = tpu.iota {dimensions = array<i32: 1>} : vector<256x2048xi32>
    %get3A_27 = arith.constant 0 : index
    %get3A_28 = arith.constant 0 : index
    %get3A_29 = vector.load %arg12[%get3A_27, %get3A_28] : memref<256x2048xf32, #tpu.memory_space<vmem>>, vector<256x2048xf32>
    %reduce_max3A = arith.constant dense<0xFF800000> : vector<256xf32>
    %reduce_max3A_30 = vector.multi_reduction <maximumf>, %get3A_29, %reduce_max3A [1] : vector<256x2048xf32> to vector<256xf32>
    %broadcast_in_dim3A = vector.shape_cast %reduce_max3A_30 : vector<256xf32> to vector<256x1xf32>
    %argmax3A = tpu.reduce_index %get3A_29 {axis = 1 : i32, kind = #tpu.reduction_kind<arg_max>} : vector<256x2048xf32> -> vector<256xi32>
    %reshape3A = vector.shape_cast %argmax3A : vector<256xi32> to vector<256x1xi32>
    %eq3A = vector.broadcast %reshape3A : vector<256x1xi32> to vector<256x2048xi32>
    %eq3A_31 = arith.cmpi eq, %iota3A, %eq3A : vector<256x2048xi32>
    %jit3A = arith.constant 0xFF800000 : f32
    %broadcast_in_dim3A_32 = vector.broadcast %jit3A : f32 to vector<256x2048xf32>
    %select_n3A = arith.select %eq3A_31, %broadcast_in_dim3A_32, %get3A_29 : vector<256x2048xi1>, vector<256x2048xf32>
    %swap3A_33 = arith.constant 0 : index
    %swap3A_34 = arith.constant 0 : index
    %swap3A_35 = vector.load %arg12[%swap3A_33, %swap3A_34] : memref<256x2048xf32, #tpu.memory_space<vmem>>, vector<256x2048xf32>
    tpu.vector_store %arg12[%swap3A_33, %swap3A_34], %select_n3A {strides = array<i32>} : memref<256x2048xf32, #tpu.memory_space<vmem>>, vector<256x2048xf32>,
    %get3A_36 = arith.constant 0 : index
    %get3A_37 = arith.constant 0 : index
    %get3A_38 = vector.load %arg12[%get3A_36, %get3A_37] : memref<256x2048xf32, #tpu.memory_space<vmem>>, vector<256x2048xf32>
    %reduce_max3A_39 = arith.constant dense<0xFF800000> : vector<256xf32>
    %reduce_max3A_40 = vector.multi_reduction <maximumf>, %get3A_38, %reduce_max3A_39 [1] : vector<256x2048xf32> to vector<256xf32>
    %broadcast_in_dim3A_41 = vector.shape_cast %reduce_max3A_40 : vector<256xf32> to vector<256x1xf32>
    %argmax3A_42 = tpu.reduce_index %get3A_38 {axis = 1 : i32, kind = #tpu.reduction_kind<arg_max>} : vector<256x2048xf32> -> vector<256xi32>
    %reshape3A_43 = vector.shape_cast %argmax3A_42 : vector<256xi32> to vector<256x1xi32>
    %eq3A_44 = vector.broadcast %reshape3A_43 : vector<256x1xi32> to vector<256x2048xi32>
    %eq3A_45 = arith.cmpi eq, %iota3A, %eq3A_44 : vector<256x2048xi32>
    %jit3A_46 = arith.constant 0xFF800000 : f32
    %broadcast_in_dim3A_47 = vector.broadcast %jit3A_46 : f32 to vector<256x2048xf32>
    %select_n3A_48 = arith.select %eq3A_45, %broadcast_in_dim3A_47, %get3A_38 : vector<256x2048xi1>, vector<256x2048xf32>
    %swap3A_49 = arith.constant 0 : index
    %swap3A_50 = arith.constant 0 : index
    %swap3A_51 = vector.load %arg12[%swap3A_49, %swap3A_50] : memref<256x2048xf32, #tpu.memory_space<vmem>>, vector<256x2048xf32>
    tpu.vector_store %arg12[%swap3A_49, %swap3A_50], %select_n3A_48 {strides = array<i32>} : memref<256x2048xf32, #tpu.memory_space<vmem>>, vector<256x2048xf32>,
    %get3A_52 = arith.constant 0 : index
    %get3A_53 = arith.constant 0 : index
    %get3A_54 = vector.load %arg12[%get3A_52, %get3A_53] : memref<256x2048xf32, #tpu.memory_space<vmem>>, vector<256x2048xf32>
    %reduce_max3A_55 = arith.constant dense<0xFF800000> : vector<256xf32>
    %reduce_max3A_56 = vector.multi_reduction <maximumf>, %get3A_54, %reduce_max3A_55 [1] : vector<256x2048xf32> to vector<256xf32>
    %broadcast_in_dim3A_57 = vector.shape_cast %reduce_max3A_56 : vector<256xf32> to vector<256x1xf32>
    %argmax3A_58 = tpu.reduce_index %get3A_54 {axis = 1 : i32, kind = #tpu.reduction_kind<arg_max>} : vector<256x2048xf32> -> vector<256xi32>
    %reshape3A_59 = vector.shape_cast %argmax3A_58 : vector<256xi32> to vector<256x1xi32>
    %eq3A_60 = vector.broadcast %reshape3A_59 : vector<256x1xi32> to vector<256x2048xi32>
    %eq3A_61 = arith.cmpi eq, %iota3A, %eq3A_60 : vector<256x2048xi32>
    %jit3A_62 = arith.constant 0xFF800000 : f32
    %broadcast_in_dim3A_63 = vector.broadcast %jit3A_62 : f32 to vector<256x2048xf32>
    %select_n3A_64 = arith.select %eq3A_61, %broadcast_in_dim3A_63, %get3A_54 : vector<256x2048xi1>, vector<256x2048xf32>
    %swap3A_65 = arith.constant 0 : index
    %swap3A_66 = arith.constant 0 : index
    %swap3A_67 = vector.load %arg12[%swap3A_65, %swap3A_66] : memref<256x2048xf32, #tpu.memory_space<vmem>>, vector<256x2048xf32>
    tpu.vector_store %arg12[%swap3A_65, %swap3A_66], %select_n3A_64 {strides = array<i32>} : memref<256x2048xf32, #tpu.memory_space<vmem>>, vector<256x2048xf32>,
    %get3A_68 = arith.constant 0 : index
    %get3A_69 = arith.constant 0 : index
    %get3A_70 = vector.load %arg12[%get3A_68, %get3A_69] : memref<256x2048xf32, #tpu.memory_space<vmem>>, vector<256x2048xf32>
    %reduce_max3A_71 = arith.constant dense<0xFF800000> : vector<256xf32>
    %reduce_max3A_72 = vector.multi_reduction <maximumf>, %get3A_70, %reduce_max3A_71 [1] : vector<256x2048xf32> to vector<256xf32>
    %broadcast_in_dim3A_73 = vector.shape_cast %reduce_max3A_72 : vector<256xf32> to vector<256x1xf32>
    %argmax3A_74 = tpu.reduce_index %get3A_70 {axis = 1 : i32, kind = #tpu.reduction_kind<arg_max>} : vector<256x2048xf32> -> vector<256xi32>
    %reshape3A_75 = vector.shape_cast %argmax3A_74 : vector<256xi32> to vector<256x1xi32>
    %eq3A_76 = vector.broadcast %reshape3A_75 : vector<256x1xi32> to vector<256x2048xi32>
    %eq3A_77 = arith.cmpi eq, %iota3A, %eq3A_76 : vector<256x2048xi32>
    %jit3A_78 = arith.constant 0xFF800000 : f32
    %broadcast_in_dim3A_79 = vector.broadcast %jit3A_78 : f32 to vector<256x2048xf32>
    %select_n3A_80 = arith.select %eq3A_77, %broadcast_in_dim3A_79, %get3A_70 : vector<256x2048xi1>, vector<256x2048xf32>
    %swap3A_81 = arith.constant 0 : index
    %swap3A_82 = arith.constant 0 : index
    %swap3A_83 = vector.load %arg12[%swap3A_81, %swap3A_82] : memref<256x2048xf32, #tpu.memory_space<vmem>>, vector<256x2048xf32>
    tpu.vector_store %arg12[%swap3A_81, %swap3A_82], %select_n3A_80 {strides = array<i32>} : memref<256x2048xf32, #tpu.memory_space<vmem>>, vector<256x2048xf32>,
    %get3A_84 = arith.constant 0 : index
    %get3A_85 = arith.constant 0 : index
    %get3A_86 = vector.load %arg12[%get3A_84, %get3A_85] : memref<256x2048xf32, #tpu.memory_space<vmem>>, vector<256x2048xf32>
    %reduce_max3A_87 = arith.constant dense<0xFF800000> : vector<256xf32>
    %reduce_max3A_88 = vector.multi_reduction <maximumf>, %get3A_86, %reduce_max3A_87 [1] : vector<256x2048xf32> to vector<256xf32>
    %broadcast_in_dim3A_89 = vector.shape_cast %reduce_max3A_88 : vector<256xf32> to vector<256x1xf32>
    %argmax3A_90 = tpu.reduce_index %get3A_86 {axis = 1 : i32, kind = #tpu.reduction_kind<arg_max>} : vector<256x2048xf32> -> vector<256xi32>
    %reshape3A_91 = vector.shape_cast %argmax3A_90 : vector<256xi32> to vector<256x1xi32>
    %eq3A_92 = vector.broadcast %reshape3A_91 : vector<256x1xi32> to vector<256x2048xi32>
    %eq3A_93 = arith.cmpi eq, %iota3A, %eq3A_92 : vector<256x2048xi32>
    %jit3A_94 = arith.constant 0xFF800000 : f32
    %broadcast_in_dim3A_95 = vector.broadcast %jit3A_94 : f32 to vector<256x2048xf32>
    %select_n3A_96 = arith.select %eq3A_93, %broadcast_in_dim3A_95, %get3A_86 : vector<256x2048xi1>, vector<256x2048xf32>
    %swap3A_97 = arith.constant 0 : index
    %swap3A_98 = arith.constant 0 : index
    %swap3A_99 = vector.load %arg12[%swap3A_97, %swap3A_98] : memref<256x2048xf32, #tpu.memory_space<vmem>>, vector<256x2048xf32>
    tpu.vector_store %arg12[%swap3A_97, %swap3A_98], %select_n3A_96 {strides = array<i32>} : memref<256x2048xf32, #tpu.memory_space<vmem>>, vector<256x2048xf32>,
    %get3A_100 = arith.constant 0 : index
    %get3A_101 = arith.constant 0 : index
    %get3A_102 = vector.load %arg12[%get3A_100, %get3A_101] : memref<256x2048xf32, #tpu.memory_space<vmem>>, vector<256x2048xf32>
    %reduce_max3A_103 = arith.constant dense<0xFF800000> : vector<256xf32>
    %reduce_max3A_104 = vector.multi_reduction <maximumf>, %get3A_102, %reduce_max3A_103 [1] : vector<256x2048xf32> to vector<256xf32>
    %broadcast_in_dim3A_105 = vector.shape_cast %reduce_max3A_104 : vector<256xf32> to vector<256x1xf32>
    %argmax3A_106 = tpu.reduce_index %get3A_102 {axis = 1 : i32, kind = #tpu.reduction_kind<arg_max>} : vector<256x2048xf32> -> vector<256xi32>
    %reshape3A_107 = vector.shape_cast %argmax3A_106 : vector<256xi32> to vector<256x1xi32>
    %eq3A_108 = vector.broadcast %reshape3A_107 : vector<256x1xi32> to vector<256x2048xi32>
    %eq3A_109 = arith.cmpi eq, %iota3A, %eq3A_108 : vector<256x2048xi32>
    %jit3A_110 = arith.constant 0xFF800000 : f32
    %broadcast_in_dim3A_111 = vector.broadcast %jit3A_110 : f32 to vector<256x2048xf32>
    %select_n3A_112 = arith.select %eq3A_109, %broadcast_in_dim3A_111, %get3A_102 : vector<256x2048xi1>, vector<256x2048xf32>
    %swap3A_113 = arith.constant 0 : index
    %swap3A_114 = arith.constant 0 : index
    %swap3A_115 = vector.load %arg12[%swap3A_113, %swap3A_114] : memref<256x2048xf32, #tpu.memory_space<vmem>>, vector<256x2048xf32>
    tpu.vector_store %arg12[%swap3A_113, %swap3A_114], %select_n3A_112 {strides = array<i32>} : memref<256x2048xf32, #tpu.memory_space<vmem>>, vector<256x2048xf32>,
    %get3A_116 = arith.constant 0 : index
    %get3A_117 = arith.constant 0 : index
    %get3A_118 = vector.load %arg12[%get3A_116, %get3A_117] : memref<256x2048xf32, #tpu.memory_space<vmem>>, vector<256x2048xf32>
    %reduce_max3A_119 = arith.constant dense<0xFF800000> : vector<256xf32>
    %reduce_max3A_120 = vector.multi_reduction <maximumf>, %get3A_118, %reduce_max3A_119 [1] : vector<256x2048xf32> to vector<256xf32>
    %broadcast_in_dim3A_121 = vector.shape_cast %reduce_max3A_120 : vector<256xf32> to vector<256x1xf32>
    %argmax3A_122 = tpu.reduce_index %get3A_118 {axis = 1 : i32, kind = #tpu.reduction_kind<arg_max>} : vector<256x2048xf32> -> vector<256xi32>
    %reshape3A_123 = vector.shape_cast %argmax3A_122 : vector<256xi32> to vector<256x1xi32>
    %eq3A_124 = vector.broadcast %reshape3A_123 : vector<256x1xi32> to vector<256x2048xi32>
    %eq3A_125 = arith.cmpi eq, %iota3A, %eq3A_124 : vector<256x2048xi32>
    %jit3A_126 = arith.constant 0xFF800000 : f32
    %broadcast_in_dim3A_127 = vector.broadcast %jit3A_126 : f32 to vector<256x2048xf32>
    %select_n3A_128 = arith.select %eq3A_125, %broadcast_in_dim3A_127, %get3A_118 : vector<256x2048xi1>, vector<256x2048xf32>
    %swap3A_129 = arith.constant 0 : index
    %swap3A_130 = arith.constant 0 : index
    %swap3A_131 = vector.load %arg12[%swap3A_129, %swap3A_130] : memref<256x2048xf32, #tpu.memory_space<vmem>>, vector<256x2048xf32>
    tpu.vector_store %arg12[%swap3A_129, %swap3A_130], %select_n3A_128 {strides = array<i32>} : memref<256x2048xf32, #tpu.memory_space<vmem>>, vector<256x2048xf32>,
    %get3A_132 = arith.constant 0 : index
    %get3A_133 = arith.constant 0 : index
    %get3A_134 = vector.load %arg12[%get3A_132, %get3A_133] : memref<256x2048xf32, #tpu.memory_space<vmem>>, vector<256x2048xf32>
    %reduce_max3A_135 = arith.constant dense<0xFF800000> : vector<256xf32>
    %reduce_max3A_136 = vector.multi_reduction <maximumf>, %get3A_134, %reduce_max3A_135 [1] : vector<256x2048xf32> to vector<256xf32>
    %broadcast_in_dim3A_137 = vector.shape_cast %reduce_max3A_136 : vector<256xf32> to vector<256x1xf32>
    %argmax3A_138 = tpu.reduce_index %get3A_134 {axis = 1 : i32, kind = #tpu.reduction_kind<arg_max>} : vector<256x2048xf32> -> vector<256xi32>
    %reshape3A_139 = vector.shape_cast %argmax3A_138 : vector<256xi32> to vector<256x1xi32>
    %eq3A_140 = vector.broadcast %reshape3A_139 : vector<256x1xi32> to vector<256x2048xi32>
    %eq3A_141 = arith.cmpi eq, %iota3A, %eq3A_140 : vector<256x2048xi32>
    %jit3A_142 = arith.constant 0xFF800000 : f32
    %broadcast_in_dim3A_143 = vector.broadcast %jit3A_142 : f32 to vector<256x2048xf32>
    %select_n3A_144 = arith.select %eq3A_141, %broadcast_in_dim3A_143, %get3A_134 : vector<256x2048xi1>, vector<256x2048xf32>
    %swap3A_145 = arith.constant 0 : index
    %swap3A_146 = arith.constant 0 : index
    %swap3A_147 = vector.load %arg12[%swap3A_145, %swap3A_146] : memref<256x2048xf32, #tpu.memory_space<vmem>>, vector<256x2048xf32>
    tpu.vector_store %arg12[%swap3A_145, %swap3A_146], %select_n3A_144 {strides = array<i32>} : memref<256x2048xf32, #tpu.memory_space<vmem>>, vector<256x2048xf32>,
    %get3A_148 = arith.constant 0 : index
    %get3A_149 = arith.constant 0 : index
    %get3A_150 = vector.load %arg12[%get3A_148, %get3A_149] : memref<256x2048xf32, #tpu.memory_space<vmem>>, vector<256x2048xf32>
    %reduce_max3A_151 = arith.constant dense<0xFF800000> : vector<256xf32>
    %reduce_max3A_152 = vector.multi_reduction <maximumf>, %get3A_150, %reduce_max3A_151 [1] : vector<256x2048xf32> to vector<256xf32>
    %broadcast_in_dim3A_153 = vector.shape_cast %reduce_max3A_152 : vector<256xf32> to vector<256x1xf32>
    %argmax3A_154 = tpu.reduce_index %get3A_150 {axis = 1 : i32, kind = #tpu.reduction_kind<arg_max>} : vector<256x2048xf32> -> vector<256xi32>
    %reshape3A_155 = vector.shape_cast %argmax3A_154 : vector<256xi32> to vector<256x1xi32>
    %eq3A_156 = vector.broadcast %reshape3A_155 : vector<256x1xi32> to vector<256x2048xi32>
    %eq3A_157 = arith.cmpi eq, %iota3A, %eq3A_156 : vector<256x2048xi32>
    %jit3A_158 = arith.constant 0xFF800000 : f32
    %broadcast_in_dim3A_159 = vector.broadcast %jit3A_158 : f32 to vector<256x2048xf32>
    %select_n3A_160 = arith.select %eq3A_157, %broadcast_in_dim3A_159, %get3A_150 : vector<256x2048xi1>, vector<256x2048xf32>
    %swap3A_161 = arith.constant 0 : index
    %swap3A_162 = arith.constant 0 : index
    %swap3A_163 = vector.load %arg12[%swap3A_161, %swap3A_162] : memref<256x2048xf32, #tpu.memory_space<vmem>>, vector<256x2048xf32>
    tpu.vector_store %arg12[%swap3A_161, %swap3A_162], %select_n3A_160 {strides = array<i32>} : memref<256x2048xf32, #tpu.memory_space<vmem>>, vector<256x2048xf32>,
    %get3A_164 = arith.constant 0 : index
    %get3A_165 = arith.constant 0 : index
    %get3A_166 = vector.load %arg12[%get3A_164, %get3A_165] : memref<256x2048xf32, #tpu.memory_space<vmem>>, vector<256x2048xf32>
    %reduce_max3A_167 = arith.constant dense<0xFF800000> : vector<256xf32>
    %reduce_max3A_168 = vector.multi_reduction <maximumf>, %get3A_166, %reduce_max3A_167 [1] : vector<256x2048xf32> to vector<256xf32>
    %broadcast_in_dim3A_169 = vector.shape_cast %reduce_max3A_168 : vector<256xf32> to vector<256x1xf32>
    %argmax3A_170 = tpu.reduce_index %get3A_166 {axis = 1 : i32, kind = #tpu.reduction_kind<arg_max>} : vector<256x2048xf32> -> vector<256xi32>
    %reshape3A_171 = vector.shape_cast %argmax3A_170 : vector<256xi32> to vector<256x1xi32>
    %eq3A_172 = vector.broadcast %reshape3A_171 : vector<256x1xi32> to vector<256x2048xi32>
    %eq3A_173 = arith.cmpi eq, %iota3A, %eq3A_172 : vector<256x2048xi32>
    %jit3A_174 = arith.constant 0xFF800000 : f32
    %broadcast_in_dim3A_175 = vector.broadcast %jit3A_174 : f32 to vector<256x2048xf32>
    %select_n3A_176 = arith.select %eq3A_173, %broadcast_in_dim3A_175, %get3A_166 : vector<256x2048xi1>, vector<256x2048xf32>
    %swap3A_177 = arith.constant 0 : index
    %swap3A_178 = arith.constant 0 : index
    %swap3A_179 = vector.load %arg12[%swap3A_177, %swap3A_178] : memref<256x2048xf32, #tpu.memory_space<vmem>>, vector<256x2048xf32>
    tpu.vector_store %arg12[%swap3A_177, %swap3A_178], %select_n3A_176 {strides = array<i32>} : memref<256x2048xf32, #tpu.memory_space<vmem>>, vector<256x2048xf32>,
    %get3A_180 = arith.constant 0 : index
    %get3A_181 = arith.constant 0 : index
    %get3A_182 = vector.load %arg12[%get3A_180, %get3A_181] : memref<256x2048xf32, #tpu.memory_space<vmem>>, vector<256x2048xf32>
    %reduce_max3A_183 = arith.constant dense<0xFF800000> : vector<256xf32>
    %reduce_max3A_184 = vector.multi_reduction <maximumf>, %get3A_182, %reduce_max3A_183 [1] : vector<256x2048xf32> to vector<256xf32>
    %broadcast_in_dim3A_185 = vector.shape_cast %reduce_max3A_184 : vector<256xf32> to vector<256x1xf32>
    %argmax3A_186 = tpu.reduce_index %get3A_182 {axis = 1 : i32, kind = #tpu.reduction_kind<arg_max>} : vector<256x2048xf32> -> vector<256xi32>
    %reshape3A_187 = vector.shape_cast %argmax3A_186 : vector<256xi32> to vector<256x1xi32>
    %eq3A_188 = vector.broadcast %reshape3A_187 : vector<256x1xi32> to vector<256x2048xi32>
    %eq3A_189 = arith.cmpi eq, %iota3A, %eq3A_188 : vector<256x2048xi32>
    %jit3A_190 = arith.constant 0xFF800000 : f32
    %broadcast_in_dim3A_191 = vector.broadcast %jit3A_190 : f32 to vector<256x2048xf32>
    %select_n3A_192 = arith.select %eq3A_189, %broadcast_in_dim3A_191, %get3A_182 : vector<256x2048xi1>, vector<256x2048xf32>
    %swap3A_193 = arith.constant 0 : index
    %swap3A_194 = arith.constant 0 : index
    %swap3A_195 = vector.load %arg12[%swap3A_193, %swap3A_194] : memref<256x2048xf32, #tpu.memory_space<vmem>>, vector<256x2048xf32>
    tpu.vector_store %arg12[%swap3A_193, %swap3A_194], %select_n3A_192 {strides = array<i32>} : memref<256x2048xf32, #tpu.memory_space<vmem>>, vector<256x2048xf32>,
    %get3A_196 = arith.constant 0 : index
    %get3A_197 = arith.constant 0 : index
    %get3A_198 = vector.load %arg12[%get3A_196, %get3A_197] : memref<256x2048xf32, #tpu.memory_space<vmem>>, vector<256x2048xf32>
    %reduce_max3A_199 = arith.constant dense<0xFF800000> : vector<256xf32>
    %reduce_max3A_200 = vector.multi_reduction <maximumf>, %get3A_198, %reduce_max3A_199 [1] : vector<256x2048xf32> to vector<256xf32>
    %broadcast_in_dim3A_201 = vector.shape_cast %reduce_max3A_200 : vector<256xf32> to vector<256x1xf32>
    %argmax3A_202 = tpu.reduce_index %get3A_198 {axis = 1 : i32, kind = #tpu.reduction_kind<arg_max>} : vector<256x2048xf32> -> vector<256xi32>
    %reshape3A_203 = vector.shape_cast %argmax3A_202 : vector<256xi32> to vector<256x1xi32>
    %eq3A_204 = vector.broadcast %reshape3A_203 : vector<256x1xi32> to vector<256x2048xi32>
    %eq3A_205 = arith.cmpi eq, %iota3A, %eq3A_204 : vector<256x2048xi32>
    %jit3A_206 = arith.constant 0xFF800000 : f32
    %broadcast_in_dim3A_207 = vector.broadcast %jit3A_206 : f32 to vector<256x2048xf32>
    %select_n3A_208 = arith.select %eq3A_205, %broadcast_in_dim3A_207, %get3A_198 : vector<256x2048xi1>, vector<256x2048xf32>
    %swap3A_209 = arith.constant 0 : index
    %swap3A_210 = arith.constant 0 : index
    %swap3A_211 = vector.load %arg12[%swap3A_209, %swap3A_210] : memref<256x2048xf32, #tpu.memory_space<vmem>>, vector<256x2048xf32>
    tpu.vector_store %arg12[%swap3A_209, %swap3A_210], %select_n3A_208 {strides = array<i32>} : memref<256x2048xf32, #tpu.memory_space<vmem>>, vector<256x2048xf32>,
    %get3A_212 = arith.constant 0 : index
    %get3A_213 = arith.constant 0 : index
    %get3A_214 = vector.load %arg12[%get3A_212, %get3A_213] : memref<256x2048xf32, #tpu.memory_space<vmem>>, vector<256x2048xf32>
    %reduce_max3A_215 = arith.constant dense<0xFF800000> : vector<256xf32>
    %reduce_max3A_216 = vector.multi_reduction <maximumf>, %get3A_214, %reduce_max3A_215 [1] : vector<256x2048xf32> to vector<256xf32>
    %broadcast_in_dim3A_217 = vector.shape_cast %reduce_max3A_216 : vector<256xf32> to vector<256x1xf32>
    %argmax3A_218 = tpu.reduce_index %get3A_214 {axis = 1 : i32, kind = #tpu.reduction_kind<arg_max>} : vector<256x2048xf32> -> vector<256xi32>
    %reshape3A_219 = vector.shape_cast %argmax3A_218 : vector<256xi32> to vector<256x1xi32>
    %eq3A_220 = vector.broadcast %reshape3A_219 : vector<256x1xi32> to vector<256x2048xi32>
    %eq3A_221 = arith.cmpi eq, %iota3A, %eq3A_220 : vector<256x2048xi32>
    %jit3A_222 = arith.constant 0xFF800000 : f32
    %broadcast_in_dim3A_223 = vector.broadcast %jit3A_222 : f32 to vector<256x2048xf32>
    %select_n3A_224 = arith.select %eq3A_221, %broadcast_in_dim3A_223, %get3A_214 : vector<256x2048xi1>, vector<256x2048xf32>
    %swap3A_225 = arith.constant 0 : index
    %swap3A_226 = arith.constant 0 : index
    %swap3A_227 = vector.load %arg12[%swap3A_225, %swap3A_226] : memref<256x2048xf32, #tpu.memory_space<vmem>>, vector<256x2048xf32>
    tpu.vector_store %arg12[%swap3A_225, %swap3A_226], %select_n3A_224 {strides = array<i32>} : memref<256x2048xf32, #tpu.memory_space<vmem>>, vector<256x2048xf32>,
    %get3A_228 = arith.constant 0 : index
    %get3A_229 = arith.constant 0 : index
    %get3A_230 = vector.load %arg12[%get3A_228, %get3A_229] : memref<256x2048xf32, #tpu.memory_space<vmem>>, vector<256x2048xf32>
    %reduce_max3A_231 = arith.constant dense<0xFF800000> : vector<256xf32>
    %reduce_max3A_232 = vector.multi_reduction <maximumf>, %get3A_230, %reduce_max3A_231 [1] : vector<256x2048xf32> to vector<256xf32>
    %broadcast_in_dim3A_233 = vector.shape_cast %reduce_max3A_232 : vector<256xf32> to vector<256x1xf32>
    %argmax3A_234 = tpu.reduce_index %get3A_230 {axis = 1 : i32, kind = #tpu.reduction_kind<arg_max>} : vector<256x2048xf32> -> vector<256xi32>
    %reshape3A_235 = vector.shape_cast %argmax3A_234 : vector<256xi32> to vector<256x1xi32>
    %eq3A_236 = vector.broadcast %reshape3A_235 : vector<256x1xi32> to vector<256x2048xi32>
    %eq3A_237 = arith.cmpi eq, %iota3A, %eq3A_236 : vector<256x2048xi32>
    %jit3A_238 = arith.constant 0xFF800000 : f32
    %broadcast_in_dim3A_239 = vector.broadcast %jit3A_238 : f32 to vector<256x2048xf32>
    %select_n3A_240 = arith.select %eq3A_237, %broadcast_in_dim3A_239, %get3A_230 : vector<256x2048xi1>, vector<256x2048xf32>
    %swap3A_241 = arith.constant 0 : index
    %swap3A_242 = arith.constant 0 : index
    %swap3A_243 = vector.load %arg12[%swap3A_241, %swap3A_242] : memref<256x2048xf32, #tpu.memory_space<vmem>>, vector<256x2048xf32>
    tpu.vector_store %arg12[%swap3A_241, %swap3A_242], %select_n3A_240 {strides = array<i32>} : memref<256x2048xf32, #tpu.memory_space<vmem>>, vector<256x2048xf32>,
    %get3A_244 = arith.constant 0 : index
    %get3A_245 = arith.constant 0 : index
    %get3A_246 = vector.load %arg12[%get3A_244, %get3A_245] : memref<256x2048xf32, #tpu.memory_space<vmem>>, vector<256x2048xf32>
    %reduce_max3A_247 = arith.constant dense<0xFF800000> : vector<256xf32>
    %reduce_max3A_248 = vector.multi_reduction <maximumf>, %get3A_246, %reduce_max3A_247 [1] : vector<256x2048xf32> to vector<256xf32>
    %broadcast_in_dim3A_249 = vector.shape_cast %reduce_max3A_248 : vector<256xf32> to vector<256x1xf32>
    %argmax3A_250 = tpu.reduce_index %get3A_246 {axis = 1 : i32, kind = #tpu.reduction_kind<arg_max>} : vector<256x2048xf32> -> vector<256xi32>
    %reshape3A_251 = vector.shape_cast %argmax3A_250 : vector<256xi32> to vector<256x1xi32>
    %eq3A_252 = vector.broadcast %reshape3A_251 : vector<256x1xi32> to vector<256x2048xi32>
    %eq3A_253 = arith.cmpi eq, %iota3A, %eq3A_252 : vector<256x2048xi32>
    %jit3A_254 = arith.constant 0xFF800000 : f32
    %broadcast_in_dim3A_255 = vector.broadcast %jit3A_254 : f32 to vector<256x2048xf32>
    %select_n3A_256 = arith.select %eq3A_253, %broadcast_in_dim3A_255, %get3A_246 : vector<256x2048xi1>, vector<256x2048xf32>
    %swap3A_257 = arith.constant 0 : index
    %swap3A_258 = arith.constant 0 : index
    %swap3A_259 = vector.load %arg12[%swap3A_257, %swap3A_258] : memref<256x2048xf32, #tpu.memory_space<vmem>>, vector<256x2048xf32>
    tpu.vector_store %arg12[%swap3A_257, %swap3A_258], %select_n3A_256 {strides = array<i32>} : memref<256x2048xf32, #tpu.memory_space<vmem>>, vector<256x2048xf32>,
    %get3A_260 = arith.constant 0 : index
    %get3A_261 = arith.constant 0 : index
    %get3A_262 = vector.load %arg12[%get3A_260, %get3A_261] : memref<256x2048xf32, #tpu.memory_space<vmem>>, vector<256x2048xf32>
    %reduce_max3A_263 = arith.constant dense<0xFF800000> : vector<256xf32>
    %reduce_max3A_264 = vector.multi_reduction <maximumf>, %get3A_262, %reduce_max3A_263 [1] : vector<256x2048xf32> to vector<256xf32>
    %broadcast_in_dim3A_265 = vector.shape_cast %reduce_max3A_264 : vector<256xf32> to vector<256x1xf32>
    %argmax3A_266 = tpu.reduce_index %get3A_262 {axis = 1 : i32, kind = #tpu.reduction_kind<arg_max>} : vector<256x2048xf32> -> vector<256xi32>
    %reshape3A_267 = vector.shape_cast %argmax3A_266 : vector<256xi32> to vector<256x1xi32>
    %eq3A_268 = vector.broadcast %reshape3A_267 : vector<256x1xi32> to vector<256x2048xi32>
    %eq3A_269 = arith.cmpi eq, %iota3A, %eq3A_268 : vector<256x2048xi32>
    %jit3A_270 = arith.constant 0xFF800000 : f32
    %broadcast_in_dim3A_271 = vector.broadcast %jit3A_270 : f32 to vector<256x2048xf32>
    %select_n3A_272 = arith.select %eq3A_269, %broadcast_in_dim3A_271, %get3A_262 : vector<256x2048xi1>, vector<256x2048xf32>
    %swap3A_273 = arith.constant 0 : index
    %swap3A_274 = arith.constant 0 : index
    %swap3A_275 = vector.load %arg12[%swap3A_273, %swap3A_274] : memref<256x2048xf32, #tpu.memory_space<vmem>>, vector<256x2048xf32>
    tpu.vector_store %arg12[%swap3A_273, %swap3A_274], %select_n3A_272 {strides = array<i32>} : memref<256x2048xf32, #tpu.memory_space<vmem>>, vector<256x2048xf32>,
    %get3A_276 = arith.constant 0 : index
    %get3A_277 = arith.constant 0 : index
    %get3A_278 = vector.load %arg12[%get3A_276, %get3A_277] : memref<256x2048xf32, #tpu.memory_space<vmem>>, vector<256x2048xf32>
    %reduce_max3A_279 = arith.constant dense<0xFF800000> : vector<256xf32>
    %reduce_max3A_280 = vector.multi_reduction <maximumf>, %get3A_278, %reduce_max3A_279 [1] : vector<256x2048xf32> to vector<256xf32>
    %broadcast_in_dim3A_281 = vector.shape_cast %reduce_max3A_280 : vector<256xf32> to vector<256x1xf32>
    %argmax3A_282 = tpu.reduce_index %get3A_278 {axis = 1 : i32, kind = #tpu.reduction_kind<arg_max>} : vector<256x2048xf32> -> vector<256xi32>
    %reshape3A_283 = vector.shape_cast %argmax3A_282 : vector<256xi32> to vector<256x1xi32>
    %eq3A_284 = vector.broadcast %reshape3A_283 : vector<256x1xi32> to vector<256x2048xi32>
    %eq3A_285 = arith.cmpi eq, %iota3A, %eq3A_284 : vector<256x2048xi32>
    %jit3A_286 = arith.constant 0xFF800000 : f32
    %broadcast_in_dim3A_287 = vector.broadcast %jit3A_286 : f32 to vector<256x2048xf32>
    %select_n3A_288 = arith.select %eq3A_285, %broadcast_in_dim3A_287, %get3A_278 : vector<256x2048xi1>, vector<256x2048xf32>
    %swap3A_289 = arith.constant 0 : index
    %swap3A_290 = arith.constant 0 : index
    %swap3A_291 = vector.load %arg12[%swap3A_289, %swap3A_290] : memref<256x2048xf32, #tpu.memory_space<vmem>>, vector<256x2048xf32>
    tpu.vector_store %arg12[%swap3A_289, %swap3A_290], %select_n3A_288 {strides = array<i32>} : memref<256x2048xf32, #tpu.memory_space<vmem>>, vector<256x2048xf32>,
    %get3A_292 = arith.constant 0 : index
    %get3A_293 = arith.constant 0 : index
    %get3A_294 = vector.load %arg12[%get3A_292, %get3A_293] : memref<256x2048xf32, #tpu.memory_space<vmem>>, vector<256x2048xf32>
    %reduce_max3A_295 = arith.constant dense<0xFF800000> : vector<256xf32>
    %reduce_max3A_296 = vector.multi_reduction <maximumf>, %get3A_294, %reduce_max3A_295 [1] : vector<256x2048xf32> to vector<256xf32>
    %broadcast_in_dim3A_297 = vector.shape_cast %reduce_max3A_296 : vector<256xf32> to vector<256x1xf32>
    %argmax3A_298 = tpu.reduce_index %get3A_294 {axis = 1 : i32, kind = #tpu.reduction_kind<arg_max>} : vector<256x2048xf32> -> vector<256xi32>
    %reshape3A_299 = vector.shape_cast %argmax3A_298 : vector<256xi32> to vector<256x1xi32>
    %eq3A_300 = vector.broadcast %reshape3A_299 : vector<256x1xi32> to vector<256x2048xi32>
    %eq3A_301 = arith.cmpi eq, %iota3A, %eq3A_300 : vector<256x2048xi32>
    %jit3A_302 = arith.constant 0xFF800000 : f32
    %broadcast_in_dim3A_303 = vector.broadcast %jit3A_302 : f32 to vector<256x2048xf32>
    %select_n3A_304 = arith.select %eq3A_301, %broadcast_in_dim3A_303, %get3A_294 : vector<256x2048xi1>, vector<256x2048xf32>
    %swap3A_305 = arith.constant 0 : index
    %swap3A_306 = arith.constant 0 : index
    %swap3A_307 = vector.load %arg12[%swap3A_305, %swap3A_306] : memref<256x2048xf32, #tpu.memory_space<vmem>>, vector<256x2048xf32>
    tpu.vector_store %arg12[%swap3A_305, %swap3A_306], %select_n3A_304 {strides = array<i32>} : memref<256x2048xf32, #tpu.memory_space<vmem>>, vector<256x2048xf32>,
    %get3A_308 = arith.constant 0 : index
    %get3A_309 = arith.constant 0 : index
    %get3A_310 = vector.load %arg12[%get3A_308, %get3A_309] : memref<256x2048xf32, #tpu.memory_space<vmem>>, vector<256x2048xf32>
    %reduce_max3A_311 = arith.constant dense<0xFF800000> : vector<256xf32>
    %reduce_max3A_312 = vector.multi_reduction <maximumf>, %get3A_310, %reduce_max3A_311 [1] : vector<256x2048xf32> to vector<256xf32>
    %broadcast_in_dim3A_313 = vector.shape_cast %reduce_max3A_312 : vector<256xf32> to vector<256x1xf32>
    %argmax3A_314 = tpu.reduce_index %get3A_310 {axis = 1 : i32, kind = #tpu.reduction_kind<arg_max>} : vector<256x2048xf32> -> vector<256xi32>
    %reshape3A_315 = vector.shape_cast %argmax3A_314 : vector<256xi32> to vector<256x1xi32>
    %eq3A_316 = vector.broadcast %reshape3A_315 : vector<256x1xi32> to vector<256x2048xi32>
    %eq3A_317 = arith.cmpi eq, %iota3A, %eq3A_316 : vector<256x2048xi32>
    %jit3A_318 = arith.constant 0xFF800000 : f32
    %broadcast_in_dim3A_319 = vector.broadcast %jit3A_318 : f32 to vector<256x2048xf32>
    %select_n3A_320 = arith.select %eq3A_317, %broadcast_in_dim3A_319, %get3A_310 : vector<256x2048xi1>, vector<256x2048xf32>
    %swap3A_321 = arith.constant 0 : index
    %swap3A_322 = arith.constant 0 : index
    %swap3A_323 = vector.load %arg12[%swap3A_321, %swap3A_322] : memref<256x2048xf32, #tpu.memory_space<vmem>>, vector<256x2048xf32>
    tpu.vector_store %arg12[%swap3A_321, %swap3A_322], %select_n3A_320 {strides = array<i32>} : memref<256x2048xf32, #tpu.memory_space<vmem>>, vector<256x2048xf32>,
    %get3A_324 = arith.constant 0 : index
    %get3A_325 = arith.constant 0 : index
    %get3A_326 = vector.load %arg12[%get3A_324, %get3A_325] : memref<256x2048xf32, #tpu.memory_space<vmem>>, vector<256x2048xf32>
    %reduce_max3A_327 = arith.constant dense<0xFF800000> : vector<256xf32>
    %reduce_max3A_328 = vector.multi_reduction <maximumf>, %get3A_326, %reduce_max3A_327 [1] : vector<256x2048xf32> to vector<256xf32>
    %broadcast_in_dim3A_329 = vector.shape_cast %reduce_max3A_328 : vector<256xf32> to vector<256x1xf32>
    %argmax3A_330 = tpu.reduce_index %get3A_326 {axis = 1 : i32, kind = #tpu.reduction_kind<arg_max>} : vector<256x2048xf32> -> vector<256xi32>
    %reshape3A_331 = vector.shape_cast %argmax3A_330 : vector<256xi32> to vector<256x1xi32>
    %eq3A_332 = vector.broadcast %reshape3A_331 : vector<256x1xi32> to vector<256x2048xi32>
    %eq3A_333 = arith.cmpi eq, %iota3A, %eq3A_332 : vector<256x2048xi32>
    %jit3A_334 = arith.constant 0xFF800000 : f32
    %broadcast_in_dim3A_335 = vector.broadcast %jit3A_334 : f32 to vector<256x2048xf32>
    %select_n3A_336 = arith.select %eq3A_333, %broadcast_in_dim3A_335, %get3A_326 : vector<256x2048xi1>, vector<256x2048xf32>
    %swap3A_337 = arith.constant 0 : index
    %swap3A_338 = arith.constant 0 : index
    %swap3A_339 = vector.load %arg12[%swap3A_337, %swap3A_338] : memref<256x2048xf32, #tpu.memory_space<vmem>>, vector<256x2048xf32>
    tpu.vector_store %arg12[%swap3A_337, %swap3A_338], %select_n3A_336 {strides = array<i32>} : memref<256x2048xf32, #tpu.memory_space<vmem>>, vector<256x2048xf32>,
    %concatenate3A = tpu.concatenate %broadcast_in_dim3A, %broadcast_in_dim3A_41, %broadcast_in_dim3A_57, %broadcast_in_dim3A_73, %broadcast_in_dim3A_89, %broadcast_in_dim3A_105, %broadcast_in_dim3A_121, %broadcast_in_dim3A_137, %broadcast_in_dim3A_153, %broadcast_in_dim3A_169, %broadcast_in_dim3A_185, %broadcast_in_dim3A_201, %broadcast_in_dim3A_217, %broadcast_in_dim3A_233, %broadcast_in_dim3A_249, %broadcast_in_dim3A_265, %broadcast_in_dim3A_281, %broadcast_in_dim3A_297, %broadcast_in_dim3A_313, %broadcast_in_dim3A_329 in 1 : vector<256x1xf32>, vector<256x1xf32>, vector<256x1xf32>, vector<256x1xf32>, vector<256x1xf32>, vector<256x1xf32>, vector<256x1xf32>, vector<256x1xf32>, vector<256x1xf32>, vector<256x1xf32>, vector<256x1xf32>, vector<256x1xf32>, vector<256x1xf32>, vector<256x1xf32>, vector<256x1xf32>, vector<256x1xf32>, vector<256x1xf32>, vector<256x1xf32>, vector<256x1xf32>, vector<256x1xf32> -> vector<256x20xf32>
    %swap3A_340 = arith.constant 0 : index
    %swap3A_341 = arith.constant 0 : index
    %swap3A_342 = arith.constant 0 : index
    %swap3A_343 = vector.load %arg9[%swap3A_340, %swap3A_341, %swap3A_342] : memref<1x256x20xf32, #tpu.memory_space<vmem>>, vector<1x256x20xf32>
    %swap3A_344 = vector.shape_cast %swap3A_343 : vector<1x256x20xf32> to vector<256x20xf32>
    %swap3A_345 = vector.shape_cast %concatenate3A : vector<256x20xf32> to vector<1x256x20xf32>
    tpu.vector_store %arg9[%swap3A_340, %swap3A_341, %swap3A_342], %swap3A_345 {strides = array<i32>} : memref<1x256x20xf32, #tpu.memory_space<vmem>>, vector<1x256x20xf32>,
    %concatenate3A_346 = tpu.concatenate %reshape3A, %reshape3A_43, %reshape3A_59, %reshape3A_75, %reshape3A_91, %reshape3A_107, %reshape3A_123, %reshape3A_139, %reshape3A_155, %reshape3A_171, %reshape3A_187, %reshape3A_203, %reshape3A_219, %reshape3A_235, %reshape3A_251, %reshape3A_267, %reshape3A_283, %reshape3A_299, %reshape3A_315, %reshape3A_331 in 1 : vector<256x1xi32>, vector<256x1xi32>, vector<256x1xi32>, vector<256x1xi32>, vector<256x1xi32>, vector<256x1xi32>, vector<256x1xi32>, vector<256x1xi32>, vector<256x1xi32>, vector<256x1xi32>, vector<256x1xi32>, vector<256x1xi32>, vector<256x1xi32>, vector<256x1xi32>, vector<256x1xi32>, vector<256x1xi32>, vector<256x1xi32>, vector<256x1xi32>, vector<256x1xi32>, vector<256x1xi32> -> vector<256x20xi32>
    %mul3A_347 = arith.constant 2048 : i32
    %mul3A_348 = arith.muli %arg0, %mul3A_347 : i32
    %add3A = vector.broadcast %mul3A_348 : i32 to vector<256x20xi32>
    %add3A_349 = arith.addi %concatenate3A_346, %add3A : vector<256x20xi32>
    %swap3A_350 = arith.constant 0 : index
    %swap3A_351 = arith.constant 0 : index
    %swap3A_352 = arith.constant 0 : index
    %swap3A_353 = vector.load %arg8[%swap3A_350, %swap3A_351, %swap3A_352] : memref<1x256x20xi32, #tpu.memory_space<vmem>>, vector<1x256x20xi32>
    %swap3A_354 = vector.shape_cast %swap3A_353 : vector<1x256x20xi32> to vector<256x20xi32>
    %swap3A_355 = vector.shape_cast %add3A_349 : vector<256x20xi32> to vector<1x256x20xi32>
    tpu.vector_store %arg8[%swap3A_350, %swap3A_351, %swap3A_352], %swap3A_355 {strides = array<i32>} : memref<1x256x20xi32, #tpu.memory_space<vmem>>, vector<1x256x20xi32>,
    %get3A_356 = arith.constant 0 : index
    %get3A_357 = arith.constant 0 : index
    %get3A_358 = vector.load %arg6[%get3A_356, %get3A_357] : memref<64x128xf32, #tpu.memory_space<vmem>>, vector<64x128xf32>
    %dot_general3A_359 = arith.constant dense<0.000000e+00> : vector<256x128xf32>
    %dot_general3A_360 = tpu.matmul %get3A_3, %get3A_358, %dot_general3A_359 {dimension_numbers = #tpu.dot_dimension_numbers<[1], [0], [0], [1], [0, 0, 1, 1], [], []>, precision = #tpu.contract_precision<fp32>, transpose_lhs_hint = false} : vector<256x64xf32>, vector<64x128xf32>, vector<256x128xf32> -> vector<256x128xf32>
    %swap3A_361 = arith.constant 0 : index
    %swap3A_362 = arith.constant 0 : index
    %swap3A_363 = vector.load %arg10[%swap3A_361, %swap3A_362] : memref<256x128xf32, #tpu.memory_space<vmem>>, vector<256x128xf32>
    tpu.vector_store %arg10[%swap3A_361, %swap3A_362], %dot_general3A_360 {strides = array<i32>} : memref<256x128xf32, #tpu.memory_space<vmem>>, vector<256x128xf32>,
    %get3A_364 = arith.constant 0 : index
    %get3A_365 = arith.constant 0 : index
    %get3A_366 = vector.load %arg7[%get3A_364, %get3A_365] : memref<64x128xf32, #tpu.memory_space<vmem>>, vector<64x128xf32>
    %dot_general3A_367 = arith.constant dense<0.000000e+00> : vector<256x128xf32>
    %dot_general3A_368 = tpu.matmul %get3A_3, %get3A_366, %dot_general3A_367 {dimension_numbers = #tpu.dot_dimension_numbers<[1], [0], [0], [1], [0, 0, 1, 1], [], []>, precision = #tpu.contract_precision<fp32>, transpose_lhs_hint = false} : vector<256x64xf32>, vector<64x128xf32>, vector<256x128xf32> -> vector<256x128xf32>
    %swap3A_369 = arith.constant 0 : index
    %swap3A_370 = arith.constant 0 : index
    %swap3A_371 = vector.load %arg11[%swap3A_369, %swap3A_370] : memref<256x128xf32, #tpu.memory_space<vmem>>, vector<256x128xf32>
    tpu.vector_store %arg11[%swap3A_369, %swap3A_370], %dot_general3A_368 {strides = array<i32>} : memref<256x128xf32, #tpu.memory_space<vmem>>, vector<256x128xf32>,
    return
  }
  func.func @transform_0(%arg0: i32, %arg1: i32) -> (i32, i32, i32) {
    %c0_i32 = arith.constant 0 : i32
    %c0_i32_0 = arith.constant 0 : i32
    return %arg0, %arg1, %c0_i32 : i32, i32, i32
  }
  func.func @transform_1(%arg0: i32, %arg1: i32) -> (i32, i32, i32) {
    %c0_i32 = arith.constant 0 : i32
    %c0_i32_0 = arith.constant 0 : i32
    %c0_i32_1 = arith.constant 0 : i32
    return %arg0, %c0_i32, %c0_i32_0 : i32, i32, i32
  }
  func.func @transform_2(%arg0: i32, %arg1: i32) -> (i32, i32, i32) {
    %c0_i32 = arith.constant 0 : i32
    %c0_i32_0 = arith.constant 0 : i32
    %c0_i32_1 = arith.constant 0 : i32
    return %arg0, %c0_i32, %c0_i32_0 : i32, i32, i32
  }
  func.func @transform_3(%arg0: i32, %arg1: i32) -> (i32, i32, i32) {
    %c0_i32 = arith.constant 0 : i32
    %c0_i32_0 = arith.constant 0 : i32
    return %arg0, %arg1, %c0_i32 : i32, i32, i32
  }
  func.func @transform_4(%arg0: i32, %arg1: i32) -> (i32, i32) {
    %c0_i32 = arith.constant 0 : i32
    %c0_i32_0 = arith.constant 0 : i32
    %c0_i32_1 = arith.constant 0 : i32
    return %c0_i32, %c0_i32_0 : i32, i32
  }
  func.func @transform_5(%arg0: i32, %arg1: i32) -> (i32, i32) {
    %c0_i32 = arith.constant 0 : i32
    %c0_i32_0 = arith.constant 0 : i32
    %c0_i32_1 = arith.constant 0 : i32
    return %c0_i32, %c0_i32_0 : i32, i32
  }
  func.func @transform_6(%arg0: i32, %arg1: i32) -> (i32, i32, i32) {
    %c0_i32 = arith.constant 0 : i32
    %c0_i32_0 = arith.constant 0 : i32
    return %arg0, %arg1, %c0_i32 : i32, i32, i32
  }
  func.func @transform_7(%arg0: i32, %arg1: i32) -> (i32, i32, i32) {
    %c0_i32 = arith.constant 0 : i32
    %c0_i32_0 = arith.constant 0 : i32
    return %arg0, %arg1, %c0_i32 : i32, i32, i32
  }
  func.func @transform_8(%arg0: i32, %arg1: i32) -> (i32, i32) {
    %mul3A = arith.constant 8 : i32
    %mul3A_0 = arith.muli %arg0, %mul3A : i32
    %add3A = arith.addi %mul3A_0, %arg1 : i32
    %c0_i32 = arith.constant 0 : i32
    %c0_i32_1 = arith.constant 0 : i32
    return %add3A, %c0_i32 : i32, i32
  }
  func.func @transform_9(%arg0: i32, %arg1: i32) -> (i32, i32) {
    %mul3A = arith.constant 8 : i32
    %mul3A_0 = arith.muli %arg0, %mul3A : i32
    %add3A = arith.addi %mul3A_0, %arg1 : i32
    %c0_i32 = arith.constant 0 : i32
    %c0_i32_1 = arith.constant 0 : i32
    return %add3A, %c0_i32 : i32, i32
  }
}

module attributes {stable_mosaic.version = 14 : i64} {
  func.func @_stats_body(%arg0: i32, %arg1: memref<2560x128xf32, #tpu.memory_space<vmem>>, %arg2: memref<128x128xf32, #tpu.memory_space<vmem>>, %arg3: memref<2560x1xf32, #tpu.memory_space<vmem>>, %arg4: memref<2560x128xf32, #tpu.memory_space<vmem>>, %arg5: memref<1x128xf32, #tpu.memory_space<vmem>>, %arg6: memref<2x128xf32, #tpu.memory_space<vmem>>) attributes {dimension_semantics = [#tpu.dimension_semantics<arbitrary>], iteration_bounds = array<i64: 64>, scalar_prefetch = 0 : i64, scratch_operands = 0 : i64, tpu.core_type = #tpu.core_type<tc>, window_params = [{transform_indices = @transform_0, window_bounds = array<i64: 2560, 128>}, {transform_indices = @transform_1, window_bounds = array<i64: 128, 128>}, {transform_indices = @transform_2, window_bounds = array<i64: 2560, 1>}, {pipeline_mode = #tpu.pipeline_mode<synchronous>, transform_indices = @transform_3, window_bounds = array<i64: 2560, 128>}, {pipeline_mode = #tpu.pipeline_mode<synchronous>, transform_indices = @transform_4, window_bounds = array<i64: 1, 128>}, {pipeline_mode = #tpu.pipeline_mode<synchronous>, transform_indices = @transform_5, window_bounds = array<i64: 2, 128>}]} {
    %get3A = arith.constant 0 : index
    %get3A_0 = arith.constant 0 : index
    %get3A_1 = vector.load %arg4[%get3A, %get3A_0] : memref<2560x128xf32, #tpu.memory_space<vmem>>, vector<2560x128xf32>
    %get3A_2 = arith.constant 0 : index
    %get3A_3 = arith.constant 0 : index
    %get3A_4 = vector.load %arg2[%get3A_2, %get3A_3] : memref<128x128xf32, #tpu.memory_space<vmem>>, vector<128x128xf32>
    %dot_general3A = arith.constant dense<0.000000e+00> : vector<2560x128xf32>
    %dot_general3A_5 = tpu.matmul %get3A_1, %get3A_4, %dot_general3A {dimension_numbers = #tpu.dot_dimension_numbers<[1], [0], [0], [1], [0, 0, 1, 1], [], []>, precision = #tpu.contract_precision<fp32>, transpose_lhs_hint = false} : vector<2560x128xf32>, vector<128x128xf32>, vector<2560x128xf32> -> vector<2560x128xf32>
    %get3A_6 = arith.constant 0 : index
    %get3A_7 = arith.constant 0 : index
    %get3A_8 = vector.load %arg3[%get3A_6, %get3A_7] : memref<2560x1xf32, #tpu.memory_space<vmem>>, vector<2560x1xf32>
    %convert_element_type3A = arith.truncf %get3A_8 : vector<2560x1xf32> to vector<2560x1xbf16>
    %convert_element_type3A_9 = arith.extf %convert_element_type3A : vector<2560x1xbf16> to vector<2560x1xf32>
    %get3A_10 = arith.constant 0 : index
    %get3A_11 = arith.constant 0 : index
    %get3A_12 = vector.load %arg1[%get3A_10, %get3A_11] : memref<2560x128xf32, #tpu.memory_space<vmem>>, vector<2560x128xf32>
    %add3A = arith.addf %get3A_12, %dot_general3A_5 : vector<2560x128xf32>
    %get3A_13 = arith.constant 0 : index
    %get3A_14 = arith.constant 0 : index
    %get3A_15 = vector.load %arg5[%get3A_13, %get3A_14] : memref<1x128xf32, #tpu.memory_space<vmem>>, vector<1x128xf32>
    %mul3A = vector.broadcast %convert_element_type3A_9 : vector<2560x1xf32> to vector<2560x128xf32>
    %mul3A_16 = vector.broadcast %get3A_15 : vector<1x128xf32> to vector<2560x128xf32>
    %mul3A_17 = arith.mulf %mul3A, %mul3A_16 : vector<2560x128xf32>
    %add3A_18 = arith.addf %add3A, %mul3A_17 : vector<2560x128xf32>
    %reduce_sum3A = arith.constant dense<0.000000e+00> : vector<128xf32>
    %reduce_sum3A_19 = vector.multi_reduction <add>, %add3A_18, %reduce_sum3A [0] : vector<2560x128xf32> to vector<128xf32>
    %broadcast_in_dim3A = vector.shape_cast %reduce_sum3A_19 : vector<128xf32> to vector<1x128xf32>
    %mul3A_20 = arith.mulf %add3A_18, %add3A_18 : vector<2560x128xf32>
    %reduce_sum3A_21 = arith.constant dense<0.000000e+00> : vector<128xf32>
    %reduce_sum3A_22 = vector.multi_reduction <add>, %mul3A_20, %reduce_sum3A_21 [0] : vector<2560x128xf32> to vector<128xf32>
    %broadcast_in_dim3A_23 = vector.shape_cast %reduce_sum3A_22 : vector<128xf32> to vector<1x128xf32>
    %concatenate3A = tpu.concatenate %broadcast_in_dim3A, %broadcast_in_dim3A_23 in 0 : vector<1x128xf32>, vector<1x128xf32> -> vector<2x128xf32>
    %eq3A = arith.constant 0 : i32
    %eq3A_24 = arith.cmpi eq, %arg0, %eq3A : i32
    %convert_element_type3A_25 = arith.extui %eq3A_24 : i1 to i32
    %cond3A = arith.constant 0 : i32
    %cond3A_26 = arith.cmpi ne, %convert_element_type3A_25, %cond3A : i32
    scf.if %cond3A_26 {
      %swap3A = arith.constant 0 : index
      %swap3A_31 = arith.constant 0 : index
      %swap3A_32 = vector.load %arg6[%swap3A, %swap3A_31] : memref<2x128xf32, #tpu.memory_space<vmem>>, vector<2x128xf32>
      tpu.vector_store %arg6[%swap3A, %swap3A_31], %concatenate3A {strides = array<i32>} : memref<2x128xf32, #tpu.memory_space<vmem>>, vector<2x128xf32>,
    } else {
    }
    %gt3A = arith.constant 0 : i32
    %gt3A_27 = arith.cmpi sgt, %arg0, %gt3A : i32
    %convert_element_type3A_28 = arith.extui %gt3A_27 : i1 to i32
    %cond3A_29 = arith.constant 0 : i32
    %cond3A_30 = arith.cmpi ne, %convert_element_type3A_28, %cond3A_29 : i32
    scf.if %cond3A_30 {
      %get3A_31 = arith.constant 0 : index
      %get3A_32 = arith.constant 0 : index
      %get3A_33 = vector.load %arg6[%get3A_31, %get3A_32] : memref<2x128xf32, #tpu.memory_space<vmem>>, vector<2x128xf32>
      %add3A_34 = arith.addf %get3A_33, %concatenate3A : vector<2x128xf32>
      %swap3A = arith.constant 0 : index
      %swap3A_35 = arith.constant 0 : index
      %swap3A_36 = vector.load %arg6[%swap3A, %swap3A_35] : memref<2x128xf32, #tpu.memory_space<vmem>>, vector<2x128xf32>
      tpu.vector_store %arg6[%swap3A, %swap3A_35], %add3A_34 {strides = array<i32>} : memref<2x128xf32, #tpu.memory_space<vmem>>, vector<2x128xf32>,
    } else {
    }
    return
  }
  func.func @transform_0(%arg0: i32) -> (i32, i32) {
    %c0_i32 = arith.constant 0 : i32
    %c0_i32_0 = arith.constant 0 : i32
    return %arg0, %c0_i32 : i32, i32
  }
  func.func @transform_1(%arg0: i32) -> (i32, i32) {
    %c0_i32 = arith.constant 0 : i32
    %c0_i32_0 = arith.constant 0 : i32
    return %arg0, %c0_i32 : i32, i32
  }
  func.func @transform_2(%arg0: i32) -> (i32, i32) {
    %c0_i32 = arith.constant 0 : i32
    %c0_i32_0 = arith.constant 0 : i32
    return %arg0, %c0_i32 : i32, i32
  }
  func.func @transform_3(%arg0: i32) -> (i32, i32) {
    %c0_i32 = arith.constant 0 : i32
    %c0_i32_0 = arith.constant 0 : i32
    %c0_i32_1 = arith.constant 0 : i32
    return %c0_i32, %c0_i32_0 : i32, i32
  }
  func.func @transform_4(%arg0: i32) -> (i32, i32) {
    %c0_i32 = arith.constant 0 : i32
    %c0_i32_0 = arith.constant 0 : i32
    %c0_i32_1 = arith.constant 0 : i32
    return %c0_i32, %c0_i32_0 : i32, i32
  }
  func.func @transform_5(%arg0: i32) -> (i32, i32) {
    %c0_i32 = arith.constant 0 : i32
    %c0_i32_0 = arith.constant 0 : i32
    %c0_i32_1 = arith.constant 0 : i32
    return %c0_i32, %c0_i32_0 : i32, i32
  }
}

module attributes {stable_mosaic.version = 14 : i64} {
  func.func @_emit_body(%arg0: i32, %arg1: i32, %arg2: memref<2560x128xf32, #tpu.memory_space<vmem>>, %arg3: memref<128x128xf32, #tpu.memory_space<vmem>>, %arg4: memref<2560x1xf32, #tpu.memory_space<vmem>>, %arg5: memref<2560x128xf32, #tpu.memory_space<vmem>>, %arg6: memref<1x128xf32, #tpu.memory_space<vmem>>, %arg7: memref<2x128xf32, #tpu.memory_space<vmem>>, %arg8: memref<1x128xf32, #tpu.memory_space<vmem>>, %arg9: memref<1x128xf32, #tpu.memory_space<vmem>>, %arg10: memref<1x128x2560xf32, #tpu.memory_space<vmem>>) attributes {dimension_semantics = [#tpu.dimension_semantics<arbitrary>, #tpu.dimension_semantics<arbitrary>], iteration_bounds = array<i64: 4, 16>, scalar_prefetch = 0 : i64, scratch_operands = 0 : i64, tpu.core_type = #tpu.core_type<tc>, window_params = [{transform_indices = @transform_0, window_bounds = array<i64: 2560, 128>}, {transform_indices = @transform_1, window_bounds = array<i64: 128, 128>}, {transform_indices = @transform_2, window_bounds = array<i64: 2560, 1>}, {pipeline_mode = #tpu.pipeline_mode<synchronous>, transform_indices = @transform_3, window_bounds = array<i64: 2560, 128>}, {pipeline_mode = #tpu.pipeline_mode<synchronous>, transform_indices = @transform_4, window_bounds = array<i64: 1, 128>}, {pipeline_mode = #tpu.pipeline_mode<synchronous>, transform_indices = @transform_5, window_bounds = array<i64: 2, 128>}, {pipeline_mode = #tpu.pipeline_mode<synchronous>, transform_indices = @transform_6, window_bounds = array<i64: 1, 128>}, {pipeline_mode = #tpu.pipeline_mode<synchronous>, transform_indices = @transform_7, window_bounds = array<i64: 1, 128>}, {transform_indices = @transform_8, window_bounds = array<i64: 1, 128, 2560>}]} {
    %get3A = arith.constant 0 : index
    %get3A_0 = arith.constant 0 : index
    %get3A_1 = vector.load %arg7[%get3A, %get3A_0] : memref<2x128xf32, #tpu.memory_space<vmem>>, vector<2x128xf32>
    %slice3A = vector.extract_strided_slice %get3A_1 {offsets = [0, 0], sizes = [1, 128], strides = [1, 1]} : vector<2x128xf32> to vector<1x128xf32>
    %mul3A = arith.constant 6.10351572E-6 : f32
    %mul3A_2 = vector.broadcast %mul3A : f32 to vector<1x128xf32>
    %mul3A_3 = arith.mulf %slice3A, %mul3A_2 : vector<1x128xf32>
    %slice3A_4 = vector.extract_strided_slice %get3A_1 {offsets = [1, 0], sizes = [1, 128], strides = [1, 1]} : vector<2x128xf32> to vector<1x128xf32>
    %mul3A_5 = arith.constant 6.10351572E-6 : f32
    %mul3A_6 = vector.broadcast %mul3A_5 : f32 to vector<1x128xf32>
    %mul3A_7 = arith.mulf %slice3A_4, %mul3A_6 : vector<1x128xf32>
    %mul3A_8 = arith.mulf %mul3A_3, %mul3A_3 : vector<1x128xf32>
    %sub3A = arith.subf %mul3A_7, %mul3A_8 : vector<1x128xf32>
    %get3A_9 = arith.constant 0 : index
    %get3A_10 = arith.constant 0 : index
    %get3A_11 = vector.load %arg8[%get3A_9, %get3A_10] : memref<1x128xf32, #tpu.memory_space<vmem>>, vector<1x128xf32>
    %add3A = arith.constant 9.99999974E-6 : f32
    %add3A_12 = vector.broadcast %add3A : f32 to vector<1x128xf32>
    %add3A_13 = arith.addf %sub3A, %add3A_12 : vector<1x128xf32>
    %rsqrt3A = math.rsqrt %add3A_13 : vector<1x128xf32>
    %mul3A_14 = arith.mulf %get3A_11, %rsqrt3A : vector<1x128xf32>
    %get3A_15 = arith.constant 0 : index
    %get3A_16 = arith.constant 0 : index
    %get3A_17 = vector.load %arg9[%get3A_15, %get3A_16] : memref<1x128xf32, #tpu.memory_space<vmem>>, vector<1x128xf32>
    %mul3A_18 = arith.mulf %mul3A_3, %mul3A_14 : vector<1x128xf32>
    %sub3A_19 = arith.subf %get3A_17, %mul3A_18 : vector<1x128xf32>
    %get3A_20 = arith.constant 0 : index
    %get3A_21 = arith.constant 0 : index
    %get3A_22 = vector.load %arg5[%get3A_20, %get3A_21] : memref<2560x128xf32, #tpu.memory_space<vmem>>, vector<2560x128xf32>
    %get3A_23 = arith.constant 0 : index
    %get3A_24 = arith.constant 0 : index
    %get3A_25 = vector.load %arg3[%get3A_23, %get3A_24] : memref<128x128xf32, #tpu.memory_space<vmem>>, vector<128x128xf32>
    %dot_general3A = arith.constant dense<0.000000e+00> : vector<2560x128xf32>
    %dot_general3A_26 = tpu.matmul %get3A_22, %get3A_25, %dot_general3A {dimension_numbers = #tpu.dot_dimension_numbers<[1], [0], [0], [1], [0, 0, 1, 1], [], []>, precision = #tpu.contract_precision<fp32>, transpose_lhs_hint = false} : vector<2560x128xf32>, vector<128x128xf32>, vector<2560x128xf32> -> vector<2560x128xf32>
    %get3A_27 = arith.constant 0 : index
    %get3A_28 = arith.constant 0 : index
    %get3A_29 = vector.load %arg4[%get3A_27, %get3A_28] : memref<2560x1xf32, #tpu.memory_space<vmem>>, vector<2560x1xf32>
    %convert_element_type3A = arith.truncf %get3A_29 : vector<2560x1xf32> to vector<2560x1xbf16>
    %convert_element_type3A_30 = arith.extf %convert_element_type3A : vector<2560x1xbf16> to vector<2560x1xf32>
    %get3A_31 = arith.constant 0 : index
    %get3A_32 = arith.constant 0 : index
    %get3A_33 = vector.load %arg2[%get3A_31, %get3A_32] : memref<2560x128xf32, #tpu.memory_space<vmem>>, vector<2560x128xf32>
    %add3A_34 = arith.addf %get3A_33, %dot_general3A_26 : vector<2560x128xf32>
    %get3A_35 = arith.constant 0 : index
    %get3A_36 = arith.constant 0 : index
    %get3A_37 = vector.load %arg6[%get3A_35, %get3A_36] : memref<1x128xf32, #tpu.memory_space<vmem>>, vector<1x128xf32>
    %mul3A_38 = vector.broadcast %convert_element_type3A_30 : vector<2560x1xf32> to vector<2560x128xf32>
    %mul3A_39 = vector.broadcast %get3A_37 : vector<1x128xf32> to vector<2560x128xf32>
    %mul3A_40 = arith.mulf %mul3A_38, %mul3A_39 : vector<2560x128xf32>
    %add3A_41 = arith.addf %add3A_34, %mul3A_40 : vector<2560x128xf32>
    %mul3A_42 = vector.broadcast %mul3A_14 : vector<1x128xf32> to vector<2560x128xf32>
    %mul3A_43 = arith.mulf %add3A_41, %mul3A_42 : vector<2560x128xf32>
    %add3A_44 = vector.broadcast %sub3A_19 : vector<1x128xf32> to vector<2560x128xf32>
    %add3A_45 = arith.addf %mul3A_43, %add3A_44 : vector<2560x128xf32>
    %gt3A = arith.constant 0.000000e+00 : f32
    %gt3A_46 = vector.broadcast %gt3A : f32 to vector<2560x128xf32>
    %gt3A_47 = arith.cmpf ogt, %add3A_45, %gt3A_46 : vector<2560x128xf32>
    %mul3A_48 = arith.constant 2.000000e-01 : f32
    %mul3A_49 = vector.broadcast %mul3A_48 : f32 to vector<2560x128xf32>
    %mul3A_50 = arith.mulf %mul3A_49, %add3A_45 : vector<2560x128xf32>
    %select_n3A = arith.select %gt3A_47, %add3A_45, %mul3A_50 : vector<2560x128xi1>, vector<2560x128xf32>
    %transpose3A = tpu.transpose %select_n3A, [1, 0] : vector<2560x128xf32> -> vector<128x2560xf32>
    %swap3A = arith.constant 0 : index
    %swap3A_51 = arith.constant 0 : index
    %swap3A_52 = arith.constant 0 : index
    %swap3A_53 = vector.load %arg10[%swap3A, %swap3A_51, %swap3A_52] : memref<1x128x2560xf32, #tpu.memory_space<vmem>>, vector<1x128x2560xf32>
    %swap3A_54 = vector.shape_cast %swap3A_53 : vector<1x128x2560xf32> to vector<128x2560xf32>
    %swap3A_55 = vector.shape_cast %transpose3A : vector<128x2560xf32> to vector<1x128x2560xf32>
    tpu.vector_store %arg10[%swap3A, %swap3A_51, %swap3A_52], %swap3A_55 {strides = array<i32>} : memref<1x128x2560xf32, #tpu.memory_space<vmem>>, vector<1x128x2560xf32>,
    return
  }
  func.func @transform_0(%arg0: i32, %arg1: i32) -> (i32, i32) {
    %mul3A = arith.constant 16 : i32
    %mul3A_0 = arith.muli %arg0, %mul3A : i32
    %add3A = arith.addi %mul3A_0, %arg1 : i32
    %c0_i32 = arith.constant 0 : i32
    %c0_i32_1 = arith.constant 0 : i32
    return %add3A, %c0_i32 : i32, i32
  }
  func.func @transform_1(%arg0: i32, %arg1: i32) -> (i32, i32) {
    %mul3A = arith.constant 16 : i32
    %mul3A_0 = arith.muli %arg0, %mul3A : i32
    %add3A = arith.addi %mul3A_0, %arg1 : i32
    %c0_i32 = arith.constant 0 : i32
    %c0_i32_1 = arith.constant 0 : i32
    return %add3A, %c0_i32 : i32, i32
  }
  func.func @transform_2(%arg0: i32, %arg1: i32) -> (i32, i32) {
    %mul3A = arith.constant 16 : i32
    %mul3A_0 = arith.muli %arg0, %mul3A : i32
    %add3A = arith.addi %mul3A_0, %arg1 : i32
    %c0_i32 = arith.constant 0 : i32
    %c0_i32_1 = arith.constant 0 : i32
    return %add3A, %c0_i32 : i32, i32
  }
  func.func @transform_3(%arg0: i32, %arg1: i32) -> (i32, i32) {
    %c0_i32 = arith.constant 0 : i32
    %c0_i32_0 = arith.constant 0 : i32
    %c0_i32_1 = arith.constant 0 : i32
    return %c0_i32, %c0_i32_0 : i32, i32
  }
  func.func @transform_4(%arg0: i32, %arg1: i32) -> (i32, i32) {
    %c0_i32 = arith.constant 0 : i32
    %c0_i32_0 = arith.constant 0 : i32
    %c0_i32_1 = arith.constant 0 : i32
    return %c0_i32, %c0_i32_0 : i32, i32
  }
  func.func @transform_5(%arg0: i32, %arg1: i32) -> (i32, i32) {
    %c0_i32 = arith.constant 0 : i32
    %c0_i32_0 = arith.constant 0 : i32
    %c0_i32_1 = arith.constant 0 : i32
    return %c0_i32, %c0_i32_0 : i32, i32
  }
  func.func @transform_6(%arg0: i32, %arg1: i32) -> (i32, i32) {
    %c0_i32 = arith.constant 0 : i32
    %c0_i32_0 = arith.constant 0 : i32
    %c0_i32_1 = arith.constant 0 : i32
    return %c0_i32, %c0_i32_0 : i32, i32
  }
  func.func @transform_7(%arg0: i32, %arg1: i32) -> (i32, i32) {
    %c0_i32 = arith.constant 0 : i32
    %c0_i32_0 = arith.constant 0 : i32
    %c0_i32_1 = arith.constant 0 : i32
    return %c0_i32, %c0_i32_0 : i32, i32
  }
  func.func @transform_8(%arg0: i32, %arg1: i32) -> (i32, i32, i32) {
    %c0_i32 = arith.constant 0 : i32
    %c0_i32_0 = arith.constant 0 : i32
    return %arg0, %c0_i32, %arg1 : i32, i32, i32
  }
}

</mosaic_0001>

<sc_bundles>
// kernel: kernel.7.cloned.1.call-start
scs
__scs_entry_jumppad:
0x0: {  	(pc) =	sbr.rel $0x88, $3  }
0x1: {  	(tag) =	ssettag $0x0;
	lr =	simm.s32 $0x1  }
0x2: {  	[smem:$0x3F9D] =	sst lr;
	_ =	strace $0xD0000000  }
0x3: {  	_ = 	snop  }
0x4: {  	_ = 	snop  }
0x5: {  	_ = 	snop  }
0x6: {  	_ = 	snop  }
0x7: {  	_ = 	snop  }
__scs_overlays_trampoline_lowered:
0x8: {  	[smem:$0x3FAC] =	sst s0  }
0x9: {  	[smem:$0x3FAD] =	sst s1  }
0xa: {  	[smem:$0x3FAE] =	sst s2  }
0xb: {  	[smem:$0x3FAF] =	sst s3  }
0xc: {  	[smem:$0x3FB0] =	sst s4  }
0xd: {  	[smem:$0x3FB1] =	sst s5  }
0xe: {  	[smem:$0x3FB2] =	sst s6  }
0xf: {  	[smem:$0x3FB3] =	sst s7  }
0x10: {  	[smem:$0x3FB4] =	sst s8  }
0x11: {  	[smem:$0x3FB5] =	sst s9;
	s0 =	simm.s32 @!p0 $0x0  }
0x12: {  	s1 =	sld [smem:$0x3F9B];
	s0 =	simm.s32 @p0 $0x1  }
0x13: {  	[smem:$0x3FB6] =	sst s0;
	s0 =	simm.s32 @!p1 $0x0  }
0x14: {  	s2 =	sld [smem:$0x3F9A];
	s0 =	simm.s32 @p1 $0x1  }
0x15: {  	[smem:$0x3FB7] =	sst s0;
	s0 =	simm.s32 @!p2 $0x0  }
0x16: {  	s3 =	sld [smem:$0x3FDB];
	s0 =	simm.s32 @p2 $0x1  }
0x17: {  	s4 =	simm.s32 $0x1BF5;
	[smem:$0x3FB9] =	sst s0  }
0x18: {  	s0 =	sld [smem:$0x3F9C];
	_ =	swait.ge [sflag:s4], $0x0  }
0x19: {  	s7 =	sld [smem:$0x3F9D]  }
0x1a: {  	s8 =	sadd.s32 $0xFFFFE003, lr  }
0x1b: {  	s9 =	sadd.s32 $0xFFFFFEF7, lr;
	s5 =	simm.s32 $0xFFFFFFFF;
	p2 =	slt.u32 s8, $0xFFFFF086  }
0x1c: {  	p1 =	slt.u32 s9, $0xF7A;
	s5 =	simm.s32 @!p2 $0x0  }
0x1d: {  	s5 =	simm.s32 @p1 $0x1;
	p0 =	seq.s32 s7, s2  }
0x1e: {  	s7 =	smul.u32 @!p0 $0xF7A, s2;
	p2 =	seq.s32 @!p0 s5, $0x0  }
0x1f: {  	s9 =	smul.u32 $0xF7A, s1;
	s8 =	simm.s32 @!p0 $0x1BF5;
	p2 =	por !p2, p0  }
0x20: {  	[sflag:s8] =	ssyncset.s32 @!p0 $0xFFFFF086;
	s6 =	sadd.s32 @!p0 s3, s7;
	s7 =	simm.s32 @!p0 $0x108  }
0x21: {  	s3 =	sadd.s32 s3, s9;
	s6 =	sadd.s32 @!p0 $0x88, s6;
	s7 =	simm.s32 @p2 $0x1082  }
0x22: {  	[simem:s7], [sflag:s8] =	dma.local @!p0 [hbm:s6], $0xF7A  }
0x23: {  	s9 =	sor.u32 $0xD0000000, s2;
	s6 =	simm.s32 $0x108;
	_ =	swait.ge @!p0 [sflag:s8], $0x0  }
0x24: {  	s3 =	sadd.s32 $0x88, s3;
	s6 =	simm.s32 @!p1 $0x1082;
	[sflag:s4] =	ssyncset.s32 $0xFFFFF086  }
0x25: {  	[simem:s6], [sflag:s4] =	dma.local [hbm:s3], $0xF7A  }
0x26: {  	[smem:$0x3F9D] =	sst s1;
	(tag) =	ssettag s2;
	_ =	strace s9  }
0x27: {  	s1 =	sld [smem:$0x3FAD]  }
0x28: {  	s2 =	sld [smem:$0x3FAE]  }
0x29: {  	s4 =	sld [smem:$0x3FB0]  }
0x2a: {  	p0 =	seq.s32 s5, $0x0;
	s5 =	sld [smem:$0x3FB1]  }
0x2b: {  	s6 =	sld [smem:$0x3FB2]  }
0x2c: {  	s7 =	sld [smem:$0x3FB3]  }
0x2d: {  	s3 =	simm.s32 $0x108;
	s8 =	sld [smem:$0x3FB4]  }
0x2e: {  	s3 =	simm.s32 @!p0 $0x1082;
	s9 =	sld [smem:$0x3FB5]  }
0x2f: {  	lr =	sadd.s32 s0, s3;
	s0 =	sld [smem:$0x3FAC]  }
0x30: {  	s3 =	sld [smem:$0x3FAF]  }
0x31: {  	[smem:$0x3FB8] =	sst s10  }
0x32: {  	s10 =	sld [smem:$0x3FB6];
	_ =	sdelay $0x3  }
0x33: {  	p0 =	seq.s32 s10, $0x1;
	s10 =	sld [smem:$0x3FB8];
	_ =	sdelay $0x3  }
0x34: {  	[smem:$0x3FB8] =	sst s10  }
0x35: {  	s10 =	sld [smem:$0x3FB7];
	_ =	sdelay $0x3  }
0x36: {  	p1 =	seq.s32 s10, $0x1;
	s10 =	sld [smem:$0x3FB8];
	_ =	sdelay $0x3  }
0x37: {  	[smem:$0x3FB8] =	sst s10  }
0x38: {  	s10 =	sld [smem:$0x3FB9]  }
0x39: {  	_ = 	snop;
	(pc) =	sbr.ind lr, $3  }
0x3a: {  	_ = 	snop  }
0x3b: {  	_ = 	snop  }
0x3c: {  	p2 =	seq.s32 s10, $0x1;
	s10 =	sld [smem:$0x3FB8]  }
0x3d: {  	_ =	shalt  }
0x3e: {  	_ =	shalt  }
0x3f: {  	_ =	shalt  }
0x40: {  	_ =	shalt  }
0x41: {  	_ =	shalt  }
0x42: {  	_ =	shalt  }
0x43: {  	_ =	shalt  }
0x44: {  	_ =	shalt  }
0x45: {  	_ =	shalt  }
0x46: {  	_ =	shalt  }
0x47: {  	_ =	shalt  }
0x48: {  	_ =	shalt  }
0x49: {  	_ =	shalt  }
0x4a: {  	_ =	shalt  }
0x4b: {  	_ =	shalt  }
0x4c: {  	_ =	shalt  }
0x4d: {  	_ =	shalt  }
0x4e: {  	_ =	shalt  }
0x4f: {  	_ =	shalt  }
0x50: {  	_ =	shalt  }
0x51: {  	_ =	shalt  }
0x52: {  	_ =	shalt  }
0x53: {  	_ =	shalt  }
0x54: {  	_ =	shalt  }
0x55: {  	_ =	shalt  }
0x56: {  	_ =	shalt  }
0x57: {  	_ =	shalt  }
0x58: {  	_ =	shalt  }
0x59: {  	_ =	shalt  }
0x5a: {  	_ =	shalt  }
0x5b: {  	_ =	shalt  }
0x5c: {  	_ =	shalt  }
0x5d: {  	_ =	shalt  }
0x5e: {  	_ =	shalt  }
0x5f: {  	_ =	shalt  }
0x60: {  	_ =	shalt  }
0x61: {  	_ =	shalt  }
0x62: {  	_ =	shalt  }
0x63: {  	_ =	shalt  }
0x64: {  	_ =	shalt  }
0x65: {  	_ =	shalt  }
0x66: {  	_ =	shalt  }
0x67: {  	_ =	shalt  }
0x68: {  	_ =	shalt  }
0x69: {  	_ =	shalt  }
0x6a: {  	_ =	shalt  }
0x6b: {  	_ =	shalt  }
0x6c: {  	_ =	shalt  }
0x6d: {  	_ =	shalt  }
0x6e: {  	_ =	shalt  }
0x6f: {  	_ =	shalt  }
0x70: {  	_ =	shalt  }
0x71: {  	_ =	shalt  }
0x72: {  	_ =	shalt  }
0x73: {  	_ =	shalt  }
0x74: {  	_ =	shalt  }
0x75: {  	_ =	shalt  }
0x76: {  	_ =	shalt  }
0x77: {  	_ =	shalt  }
0x78: {  	_ =	shalt  }
0x79: {  	_ =	shalt  }
0x7a: {  	_ =	shalt  }
0x7b: {  	_ =	shalt  }
0x7c: {  	_ =	shalt  }
0x7d: {  	_ =	shalt  }
0x7e: {  	_ =	shalt  }
0x7f: {  	_ =	shalt  }
0x80: {  	_ =	shalt  }
0x81: {  	_ =	shalt  }
0x82: {  	_ =	shalt  }
0x83: {  	_ =	shalt  }
0x84: {  	_ =	shalt  }
0x85: {  	_ =	shalt  }
0x86: {  	_ =	shalt  }
0x87: {  	_ =	shalt  }
.Lfunc_end0:
.L_simem_size_0:
called_computation.1_lowered:
.L_overlay_start_0:
0x88: {  	s2 =	sld [smem:$0x3FD9]  }
0x89: {  	s3 =	sld [smem:$0x3FFE];
	_ =	sdelay $0x1  }
0x8a: {  	s1 =	srdreg.scid  }
0x8b: {  	s0 =	sand.u32 $0x1, s1  }
0x8c: {  	s16 =	sshll.u32 s0, $0xA;
	s2 =	sadd.s32 s3, s2  }
0x8d: {  	s2 =	sadd.s32 s2, s16  }
0x8e: {  	[smem:$0x3FC4] =	sst s2  }
0x8f: {  	_ = 	snop  }
0x90: {  	(tm) =	ssettm $0x1  }
0x91: {  	s17 =	sld [smem:$0x3FFB];
	_ =	sdelay $0x3  }
0x92: {  	_ =	strace s17  }
0x93: {  	s2 =	sld [smem:$0x3FFC];
	_ =	sdelay $0x3  }
0x94: {  	_ =	strace s2  }
0x95: {  	s2 =	sld [smem:$0x3FFD];
	_ =	sdelay $0x3  }
0x96: {  	_ =	strace s2  }
0x97: {  	_ =	strace $0x8FFFFFFF  }
0x98: {  	s18 =	sld [smem:$0x3FDB];
	_ =	sdelay $0x1  }
0x99: {  	s19 =	simm.s32 $_scs_section_size  }
0x9a: {  	s4 =	simm.s32 $_size__tile_overlayer_lowered;
	s5 =	simm.s32 $_tile_overlayer_lowered  }
0x9b: {  	s22 =	simm.s32 $0x1BFF;
	s21 =	sshll.u32 s5, $0x1;
	s2 =	sadd.s32 s19, s18  }
0x9c: {  	s6 =	simm.s32 $0x0;
	s20 =	sshll.u32 s4, $0x1;
	s4 =	sadd.s32 s21, s2  }
0x9d: {  	[timem:s6], [sflag:s22] =	dma.local [hbm:s4], s20  }
0x9e: {  	_ =	swait.ge [sflag:s22], s20  }
0x9f: {  	s3 =	ssub.s32 $0x0, s20;
	[sflag:s22] =	ssyncset.done $0x0  }
0xa0: {  	[sflag:s22] =	ssyncadd.s32 s3;
	_ =	sdelay $0x1  }
0xa1: {  	s23 =	simm.s32 $0x1B8B  }
0xa2: {  	_ =	swait.ge [sflag:s23], $0x1  }
0xa3: {  	[sflag:s23] =	ssyncset.done $0x0  }
0xa4: {  	s25 =	simm.s32 $0x1B8E;
	s24 =	sld [smem:$0x3FFE];
	[sflag:s23] =	ssyncadd.s32 $0xFFFFFFFF  }
0xa5: {  	s26 =	simm.s32 $execute0_lowered;
	[smem:$0x3FD2] =	sst s25  }
0xa6: {  	s4 =	sshll.u32 s26, $0x1;
	_ =	strace $0x80000046;
	[dreg:$0x1] =	wrdreg $0xFFFFFFFF  }
0xa7: {  	s28 =	simm.s32 $_size_execute0_lowered;
	s2 =	sadd.s32 s2, s4;
	[dreg:$0x0] =	wrdreg $0x0  }
0xa8: {  	s4 =	sshll.u32 s28, $0x1;
	[dreg:$0x2] =	wrdreg s2  }
0xa9: {  	[dreg:$0x3] =	wrdreg s4  }
0xaa: {  	[dreg:$0x4] =	wrdreg $0xC0  }
0xab: {  	_ =	task [dreg:s6], $0x5FFFF  }
0xac: {  	[dreg:$0x1] =	wrdreg $0xFFFFFFFF  }
0xad: {  	[dreg:$0x0] =	wrdreg $0x60  }
0xae: {  	[dreg:$0x2] =	wrdreg s24  }
0xaf: {  	[dreg:$0x3] =	wrdreg $0x9  }
0xb0: {  	_ =	task.clear_ibuf [dreg:s6], $0x4FFFF;
	_ =	strace $0x90000046  }
0xb1: {  	s29 =	simm.s32 $0x9;
	_ =	strace $0x80000048  }
0xb2: {  	_ =	swait.ge [sflag:s29], $0x1  }
0xb3: {  	[sflag:s29] =	ssyncadd.s32 $0xFFFFFFFF  }
0xb4: {  	_ =	strace $0x90000048  }
0xb5: {  	_ =	sfence  }
0xb6: {  	s30 =	sld [smem:$0x0];
	_ =	sdelay $0x2  }
0xb7: {  	s31 =	sshll.u32 s1, $0xD;
	s1 =	sshrl.u32 s1, $0x2  }
0xb8: {  	s3 =	sand.u32 $0x4000, s31;
	s1 =	sadd.s32 s1, s30  }
0xb9: {  	s0 =	sor.u32 s3, s0;
	s1 =	sshll.u32 s1, $0x11  }
0xba: {  	s0 =	sor.u32 s1, s0  }
0xbb: {  	s0 =	sadd.s32 $0x8F2B, s0  }
0xbc: {  	[sflag:s0] =	ssyncadd.remote.s32 $0x1  }
0xbd: {  	_ =	sfence.sel $0xFFFF  }
0xbe: {  	[dreg:$0x0] =	wrdreg $0xFFFFFFFF;
	(pc) =	sbr.abs _section_cstart, $3  }
0xbf: {  	[dreg:$0x1] =	wrdreg $0xFFFFFFFF  }
0xc0: {  	_ =	task.clear_ibuf [dreg:s6], $0x2FFFF;
	_ =	strace $0x9FFFFFFF  }
0xc1: {  	(tm) =	ssettm $0x7FFFFFFF  }
tec
execute0_lowered:
.L_overlay_start_1:
0x0: {  	(tag) =	ssettag $0x1  }
0x1: {  	s4 =	rddreg [dreg:$0x0]  }
0x2: {  	s0 =	rddreg [dreg:$0x1];
	s2 =	simm.s32 $0x0;
	s1 =	stileid.u32  }
0x3: {  	s3 =	srdreg.scid;
	s10 =	simm.s32 $0x0;
	s6 =	smul.u32 $0x2800, s1  }
0x4: {  	[smem:$0x7FF] =	sst s2;
	s5 =	sand.u32 $0x1, s3;
	s8 =	smul.u32 $0x28000, s1  }
0x5: {  	s3 =	sadd.s32 $0xE00, s4;
	s7 =	smul.u32 $0x1400, s5;
	s9 =	ssub.s32 $0x2, s5  }
0x6: {  	_ =	strace $0x80000047;
	s5 =	smul.u32 $0x14000, s5;
	s31 =	sshrl.u32 s9, $0x1  }
0x7: {  	s8 =	sadd.s32 s8, s4;
	s6 =	sadd.s32 s7, s6;
	s7 =	ssub.s32 s9, s31  }
0x8: {  	s5 =	sadd.s32 s5, s8;
	s8 =	simm.s32 $0x80;
	s6 =	sshrl.u32 s6, $0x3  }
0x9: {  	s9 =	simm.s32 $0x1;
	s5 =	sadd.s32 $0x25E00, s5;
	s6 =	sadd.s32 s6, s4  }
0xa: {  	s4 =	smax.u32 s7, $0x1;
	s7 =	simm.s32 $0x2;
	s6 =	sadd.s32 $0x20E00, s6  }
.LBB2_1:
0xb: {  	s11 =	sadd.s32 $0x0, s6  }
0xc: {  	[tilespmem:s2], [sflag:$0x2] =	stream.linear.gather [hbm4b:s11+s2], $0x80, $0x38;
	[tilespmem:$0x4080] =	vst v63  }
0xd: {  	_ =	swait.ge [sflag:s7], $0x80  }
0xe: {  	[sflag:s7] =	ssyncset.done $0x0  }
0xf: {  	[sflag:s7] =	ssyncadd.s32 $0xFFFFFF80  }
0x10: {  	[tilespmem:s8], [sflag:$0x1] =	stream.indirect.gather [hbm4b:s3+s8], $0x80, s2, s8, $0xb8;
	[tilespmem:$0x4080] =	vst v63  }
0x11: {  	_ =	swait.ge [sflag:s9], $0x4000  }
0x12: {  	[sflag:s9] =	ssyncset.done $0x0  }
0x13: {  	[sflag:s9] =	ssyncadd.s32 $0xFFFFC000  }
0x14: {  	[hbm4b:s5+s2] =	stream.linear.scatter [tilespmem:s8], [sflag:$0x2], $0x4000, $0x38;
	[tilespmem:$0x4080] =	vst v63  }
0x15: {  	s12 =	simm.s32 $0x10;
	_ =	swait.ge [sflag:s7], $0x4000  }
0x16: {  	s13 =	simm.s32 $0x20;
	s11 =	sadd.s32 $0x800, s5;
	[sflag:s7] =	ssyncset.done $0x0  }
.LBB2_2:
0x17: {  	s14 =	sadd.s32 s12, s6  }
0x18: {  	[sflag:s7] =	ssyncadd.s32 $0xFFFFC000;
	s12 =	smov.u32 s13;
	s15 =	sadd.s32 $0x10, s13  }
0x19: {  	[tilespmem:s2], [sflag:$0x2] =	stream.linear.gather [hbm4b:s14+s2], $0x80, $0x38;
	[tilespmem:$0x4080] =	vst v63  }
0x1a: {  	p0 =	sne.s32 s13, $0x270;
	_ =	swait.ge [sflag:s7], $0x80  }
0x1b: {  	[sflag:s7] =	ssyncset.done $0x0  }
0x1c: {  	[sflag:s7] =	ssyncadd.s32 $0xFFFFFF80  }
0x1d: {  	[tilespmem:s8], [sflag:$0x1] =	stream.indirect.gather [hbm4b:s3+s8], $0x80, s2, s8, $0xb8;
	[tilespmem:$0x4080] =	vst v63  }
0x1e: {  	_ =	swait.ge [sflag:s9], $0x4000  }
.Ltmp0:
0x1f: {  	[sflag:s9] =	ssyncset.done $0x0;
	(pc) =	sbr.rel @p0 .LBB2_2-.Ltmp0, $4  }
0x20: {  	[sflag:s9] =	ssyncadd.s32 $0xFFFFC000  }
0x21: {  	[hbm4b:s11+s2] =	stream.linear.scatter [tilespmem:s8], [sflag:$0x2], $0x4000, $0x38;
	[tilespmem:$0x4080] =	vst v63  }
0x22: {  	_ =	swait.ge [sflag:s7], $0x4000  }
0x23: {  	s13 =	smov.u32 s15;
	s11 =	sadd.s32 $0x800, s11;
	[sflag:s7] =	ssyncset.done $0x0  }
0x24: {  	s12 =	sadd.s32 s12, s6;
	[sflag:s7] =	ssyncadd.s32 $0xFFFFC000  }
0x25: {  	[tilespmem:s2], [sflag:$0x2] =	stream.linear.gather [hbm4b:s12+s2], $0x80, $0x38;
	[tilespmem:$0x4080] =	vst v63  }
0x26: {  	_ =	swait.ge [sflag:s7], $0x80  }
0x27: {  	[sflag:s7] =	ssyncset.done $0x0  }
0x28: {  	[sflag:s7] =	ssyncadd.s32 $0xFFFFFF80  }
0x29: {  	[tilespmem:s8], [sflag:$0x1] =	stream.indirect.gather [hbm4b:s3+s8], $0x80, s2, s8, $0xb8;
	[tilespmem:$0x4080] =	vst v63  }
0x2a: {  	s10 =	sadd.s32 $0x1, s10;
	_ =	swait.ge [sflag:s9], $0x4000  }
0x2b: {  	p0 =	sne.s32 s10, s4;
	[sflag:s9] =	ssyncset.done $0x0  }
.Ltmp1:
0x2c: {  	[sflag:s9] =	ssyncadd.s32 $0xFFFFC000;
	(pc) =	sbr.rel @p0 .LBB2_1-.Ltmp1, $4  }
0x2d: {  	[hbm4b:s11+s2] =	stream.linear.scatter [tilespmem:s8], [sflag:$0x2], $0x4000, $0x38;
	[tilespmem:$0x4080] =	vst v63  }
0x2e: {  	_ =	swait.ge [sflag:s7], $0x4000  }
0x2f: {  	[sflag:s7] =	ssyncset.done $0x0  }
0x30: {  	[sflag:s7] =	ssyncadd.s32 $0xFFFFC000  }
0x31: {  	_ =	sfence.sel $0x180000  }
0x32: {  	[bflag:$0x0] =	sbarrier.arrive $0xFFFF  }
0x33: {  	p0 =	sne.s32 s1, $0x0;
	_ =	strace $0x90000047  }
0x34: {  	s0 =	sadd.s32 @!p0 $0x100000, s0;
	[bflag:$0x2] =	sbarrier.arrive $0xFFFF  }
0x35: {  	[sflag:s0] =	ssyncadd.tile.s32 @!p0 $0x1;
	_ =	shalt  }
.Lfunc_end2:
_tile_overlayer_lowered:
.L_overlay_start_2:
0x36: {  	(tag) =	ssettag $0x2  }
0x37: {  	s0 =	rddreg [dreg:$0x0];
	s2 =	stileid.u32  }
0x38: {  	s1 =	rddreg [dreg:$0x1];
	p0 =	sne.s32 s2, $0x0  }
0x39: {  	s3 =	rddreg [dreg:$0x2];
	[bflag:$0x3] =	sbarrier.arrive $0xFFFF;
	s2 =	simm.s32 @!p0 $0x1C02  }
0x3a: {  	[timem:s3], [sflag:s2] =	dma.local @!p0 [hbm:s0], s1  }
0x3b: {  	s0 =	simm.s32 @!p0 $0x2  }
0x3c: {  	_ =	swait.ge @!p0 [sflag:s0], s1  }
0x3d: {  	s1 =	ssub.s32 @!p0 $0x0, s1;
	[sflag:s0] =	ssyncset.done @!p0 $0x0  }
0x3e: {  	[sflag:s0] =	ssyncadd.s32 @!p0 s1  }
0x3f: {  	[bflag:$0x3] =	sbarrier.arrive $0xFFFF  }
0x40: {  	_ =	shalt  }

// kernel: sparse-core-data-format-call.cloned.1.call-start
scs
called_computation_lowered:
.L_overlay_start_0:
0x0: {  	s2 =	sld [smem:$0x3FD9]  }
0x1: {  	s3 =	sld [smem:$0x3FFE];
	_ =	sdelay $0x1  }
0x2: {  	s1 =	srdreg.scid  }
0x3: {  	s0 =	sand.u32 $0x1, s1  }
0x4: {  	s18 =	sshll.u32 s0, $0xA;
	s2 =	sadd.s32 s3, s2  }
0x5: {  	s2 =	sadd.s32 s2, s18  }
0x6: {  	[smem:$0x3FC4] =	sst s2  }
0x7: {  	_ = 	snop  }
0x8: {  	s2 =	sld [smem:$0x3FD0];
	(tm) =	ssettm $0x1  }
0x9: {  	s19 =	sld [smem:$0x3FFB];
	_ =	sdelay $0x3  }
0xa: {  	_ =	strace s19  }
0xb: {  	s3 =	sld [smem:$0x3FFC];
	_ =	sdelay $0x3  }
0xc: {  	_ =	strace s3  }
0xd: {  	s3 =	sld [smem:$0x3FFD];
	_ =	sdelay $0x3  }
0xe: {  	_ =	strace s3  }
0xf: {  	_ =	strace $0x8FFFFFFF  }
0x10: {  	s20 =	sld [smem:$0x3FDB];
	_ =	sdelay $0x1  }
0x11: {  	s4 =	simm.s32 $_scs_section_size  }
0x12: {  	s5 =	simm.s32 $_size__tile_overlayer_lowered;
	s6 =	simm.s32 $_tile_overlayer_lowered  }
0x13: {  	s23 =	simm.s32 $0x1BFF;
	s22 =	sshll.u32 s6, $0x1;
	s3 =	sadd.s32 s4, s20  }
0x14: {  	s7 =	simm.s32 $0x0;
	s21 =	sshll.u32 s5, $0x1;
	s5 =	sadd.s32 s22, s3  }
0x15: {  	[timem:s7], [sflag:s23] =	dma.local [hbm:s5], s21  }
0x16: {  	_ =	swait.ge [sflag:s23], s21  }
0x17: {  	s4 =	ssub.s32 $0x0, s21;
	[sflag:s23] =	ssyncset.done $0x0  }
0x18: {  	[sflag:s23] =	ssyncadd.s32 s4;
	_ =	sdelay $0x1  }
0x19: {  	s24 =	simm.s32 $0x1B8B  }
0x1a: {  	_ =	swait.ge [sflag:s24], $0x1  }
0x1b: {  	[sflag:s24] =	ssyncset.done $0x0  }
0x1c: {  	s26 =	simm.s32 $0x1B8E;
	s25 =	sld [smem:$0x3FFE];
	[sflag:s24] =	ssyncadd.s32 $0xFFFFFFFF  }
0x1d: {  	s27 =	simm.s32 $execute0_lowered;
	[smem:$0x3FD2] =	sst s26  }
0x1e: {  	s5 =	sshll.u32 s27, $0x1;
	_ =	strace $0x80000049;
	[dreg:$0x1] =	wrdreg $0xFFFFFFFF  }
0x1f: {  	s28 =	simm.s32 $_size_execute0_lowered;
	s3 =	sadd.s32 s3, s5;
	[dreg:$0x0] =	wrdreg $0x0  }
0x20: {  	s5 =	sshll.u32 s28, $0x1;
	[dreg:$0x2] =	wrdreg s3  }
0x21: {  	[dreg:$0x3] =	wrdreg s5  }
0x22: {  	[dreg:$0x4] =	wrdreg $0xC0  }
0x23: {  	_ =	task [dreg:s7], $0x5FFFF  }
0x24: {  	[dreg:$0x1] =	wrdreg $0xFFFFFFFF  }
0x25: {  	[dreg:$0x0] =	wrdreg $0x60  }
0x26: {  	[dreg:$0x2] =	wrdreg s25  }
0x27: {  	[dreg:$0x3] =	wrdreg s2  }
0x28: {  	[dreg:$0x4] =	wrdreg $0x9  }
0x29: {  	_ =	task.clear_ibuf [dreg:s7], $0x5FFFF;
	_ =	strace $0x90000049  }
0x2a: {  	s29 =	simm.s32 $0x9;
	_ =	strace $0x8000004B  }
0x2b: {  	_ =	swait.ge [sflag:s29], $0x1  }
0x2c: {  	[sflag:s29] =	ssyncadd.s32 $0xFFFFFFFF  }
0x2d: {  	_ =	strace $0x9000004B  }
0x2e: {  	_ =	sfence  }
0x2f: {  	s30 =	sld [smem:$0x0];
	_ =	sdelay $0x2  }
0x30: {  	s31 =	sshll.u32 s1, $0xD;
	s1 =	sshrl.u32 s1, $0x2  }
0x31: {  	s3 =	sand.u32 $0x4000, s31;
	s1 =	sadd.s32 s1, s30  }
0x32: {  	s0 =	sor.u32 s3, s0;
	s1 =	sshll.u32 s1, $0x11  }
0x33: {  	s0 =	sor.u32 s1, s0  }
0x34: {  	s0 =	sadd.s32 $0x8F2B, s0  }
0x35: {  	[sflag:s0] =	ssyncadd.remote.s32 $0x1  }
0x36: {  	_ =	sfence.sel $0xFFFF  }
0x37: {  	[dreg:$0x0] =	wrdreg $0xFFFFFFFF;
	(pc) =	sbr.abs _section_cstart, $3  }
0x38: {  	[dreg:$0x1] =	wrdreg $0xFFFFFFFF  }
0x39: {  	_ =	task.clear_ibuf [dreg:s7], $0x2FFFF;
	_ =	strace $0x9FFFFFFF  }
0x3a: {  	(tm) =	ssettm $0x7FFFFFFF  }
0x3b: {  	_ =	shalt  }
tec
execute0_lowered:
.L_overlay_start_1:
0x0: {  	(tag) =	ssettag $0x1  }
0x1: {  	s0 =	stileid.u32  }
0x2: {  	s2 =	srdreg.scid;
	s1 =	sshll.u32 s0, $0x7  }
0x3: {  	s7 =	rddreg [dreg:$0x0];
	s8 =	simm.s32 $0x2;
	s3 =	ssub.s32 $0x800, s1  }
0x4: {  	s14 =	simm.s32 $0x0;
	s2 =	sand.u32 $0x1, s2;
	s4 =	sand.u32 $0x780, s3  }
0x5: {  	s5 =	ssub.s32 $0x4, s2;
	p0 =	sne.s32 s4, $0x0;
	s4 =	simm.s32 $0x1  }
0x6: {  	s3 =	sshrl.u32 s3, $0xB;
	s6 =	sshrl.u32 s5, $0x1;
	s4 =	simm.s32 @!p0 $0x0  }
0x7: {  	s9 =	simm.s32 $0x4000;
	s5 =	ssub.s32 s5, s6;
	s3 =	sadd.s32 s4, s3  }
0x8: {  	s16 =	simm.s32 $0x0;
	s15 =	simm.s32 $0x0;
	s6 =	smul.u32 s3, s5  }
.Ltmp0:
0x9: {  	s11 =	simm.s32 $0x0;
	s4 =	rddreg [dreg:$0x1];
	(pc) =	sbr.rel .LBB1_1-.Ltmp0, $4  }
0xa: {  	s13 =	simm.s32 $0x0;
	s7 =	sadd.s32 $0xE00, s7;
	s3 =	rddreg [dreg:$0x2]  }
0xb: {  	_ =	strace $0x8000004A;
	s5 =	simm.s32 $0x1;
	s6 =	smul.u32 $0x14, s6  }
0xc: {  	s10 =	smov.u32 s2;
	s12 =	smov.u32 s1;
	[sflag:s5] =	ssyncpa.u1 $0x0  }
0xd: {  	p0 =	por $0x0, $0x0;
	[sflag:s8] =	ssyncpa.u1 $0x0;
	s8 =	sor.u32 $0x1, s6  }
.LBB1_4:
0xe: {  	v5 =	vld [tilespmem:s20+$0xFFFFFFD0];
	[tilespmem:s19+$0x2040 ss:$0x81] =	vst.msk $0xffff, v1  }
0xf: {  	v58 =	vld [tilespmem:s20+$0xFFFFFFE0];
	[tilespmem:s19+$0x2850 ss:$0x81] =	vst.msk $0xffff, v2  }
0x10: {  	s21 =	sshra.s32 s21, $0x2;
	v59 =	vld [tilespmem:s20+$0xFFFFFFF0];
	[tilespmem:s19+$0x3060 ss:$0x81] =	vst.msk $0xffff, v3  }
0x11: {  	v60 =	vld [tilespmem:s20+$0x0];
	[tilespmem:s19+$0x0 ss:$0x81] =	vst.msk $0xffff, v0;
	s18 =	sadd.s32 s21, s18  }
0x12: {  	v61 =	vld [tilespmem:s20+$0x10];
	[tilespmem:s18+$0x3870 ss:$0x81] =	vst.msk $0xffff, v4  }
0x13: {  	v62 =	vld [tilespmem:s20+$0x20];
	[tilespmem:s18+$0x810 ss:$0x81] =	vst.msk $0xffff, v5  }
0x14: {  	v63 =	vld [tilespmem:s20+$0xFFFFFFC0];
	s28 =	sshll.u32 s15, $0x3;
	[tilespmem:s18+$0x1020 ss:$0x81] =	vst.msk $0xffff, v58  }
0x15: {  	s29 =	sand.u32 $0x78, s15;
	s30 =	sand.u32 $0x7F00, s15;
	s14 =	smul.u32 $0xA0000, s14;
	[tilespmem:s18+$0x1830 ss:$0x81] =	vst.msk $0xffff, v59  }
0x16: {  	s16 =	sshll.u32 s16, $0xF;
	s19 =	sand.u32 $0x400, s28;
	s21 =	sadd.s32 s4, s30;
	[tilespmem:s18+$0x2040 ss:$0x81] =	vst.msk $0xffff, v60  }
0x17: {  	s31 =	sand.u32 $0x7, s15;
	s19 =	sor.u32 s29, s19;
	s16 =	sadd.s32 s16, s21;
	[tilespmem:s18+$0x2850 ss:$0x81] =	vst.msk $0xffff, v61  }
0x18: {  	s15 =	sshll.u32 s31, $0x12;
	s19 =	sshrl.u32 s19, $0x3;
	s14 =	sadd.s32 s14, s16;
	[tilespmem:s18+$0x3060 ss:$0x81] =	vst.msk $0xffff, v62  }
0x19: {  	s15 =	sor.u32 $0x400, s15;
	s14 =	sadd.s32 s19, s14;
	[tilespmem:s18+$0x0 ss:$0x81] =	vst.msk $0xffff, v63  }
0x1a: {  	[hbm4b:s14+s15] =	stream.strided.scatter [tilespmem:s17], [sflag:$0x2], $0x4000, s9, s15, $0x20;
	[tilespmem:$0x10100] =	vst v63  }
.LBB1_5:
0x1b: {  	s17 =	sadd.s32 $0x2, s10  }
0x1c: {  	s14 =	simm.s32 $0x1;
	p2 =	sgt.s32 s17, $0x3  }
0x1d: {  	s14 =	simm.s32 @!p2 $0x0  }
0x1e: {  	s18 =	sadd.s32 s14, s11  }
0x1f: {  	s20 =	smov.u32 s12;
	s14 =	sadd.s32 $0x800, s12;
	p3 =	sgt.s32 s18, $0x13  }
0x20: {  	s20 =	smov.u32 @p3 s14  }
0x21: {  	p1 =	slt.u32 s13, $0x2;
	s17 =	smov.u32 @p2 s2;
	p2 =	sgt.s32 s20, $0x7FF  }
0x22: {  	s19 =	simm.s32 @!p1 $0x2;
	s20 =	smov.u32 @p2 s1;
	p2 =	sne.s32 s13, s8  }
.Ltmp1:
0x23: {  	_ =	swait.ge @!p1 [sflag:s19], $0x4000;
	(pc) =	sbr.rel @!p2 .LBB1_6-.Ltmp1, $4  }
0x24: {  	s16 =	smov.u32 s11;
	[sflag:s19] =	ssyncset.done @!p1 $0x0  }
0x25: {  	s15 =	smov.u32 s12;
	p0 =	por !p0, !p0;
	[sflag:s19] =	ssyncadd.s32 @!p1 $0xFFFFC000  }
0x26: {  	s18 =	simm.s32 @p3 $0x0;
	s14 =	smov.u32 s10;
	s10 =	smov.u32 s17  }
0x27: {  	s11 =	smov.u32 s18;
	s13 =	sadd.s32 $0x1, s13;
	s12 =	smov.u32 s20  }
.LBB1_1:
0x28: {  	p1 =	sge.u32 s13, s6  }
0x29: {  	s18 =	smul.u32 @!p1 $0x500, s12  }
0x2a: {  	s31 =	sadd.s32 $0xFFFFFFFF, s13;
	s17 =	sxor.u32 @!p1 $0xFFFFFFFF, s13;
	s19 =	sshll.u32 @!p1 s11, $0x6  }
0x2b: {  	s20 =	sshll.u32 @!p1 s10, $0x4;
	s17 =	sshll.u32 @!p1 s17, $0xE;
	s18 =	sadd.s32 @!p1 s7, s18  }
0x2c: {  	s20 =	sand.u32 @!p1 $0x30, s20;
	s17 =	sand.u32 @!p1 $0x4000, s17;
	s18 =	sadd.s32 @!p1 s19, s18  }
0x2d: {  	s19 =	simm.s32 @!p1 $0x80;
	s18 =	sadd.s32 @!p1 s20, s18;
	s20 =	simm.s32 @!p1 $0x2800  }
0x2e: {  	[tilespmem:s17], [sflag:$0x1] =	stream.strided.gather @!p1 [hbm4b:s18+s19], $0x4000, s20, s19, $0x38;
	[tilespmem:$0x10100] =	vst v63  }
0x2f: {  	p1 =	sge.u32 s31, s6  }
.Ltmp2:
0x30: {  	_ = 	snop;
	(pc) =	sbr.rel @p1 .LBB1_5-.Ltmp2, $1  }
0x31: {  	_ =	sdelay $0x3  }
0x32: {  	s17 =	simm.s32 $0x1  }
0x33: {  	_ =	swait.ge [sflag:s5], $0x4000;
	s17 =	simm.s32 @!p0 $0x0  }
0x34: {  	[sflag:s5] =	ssyncset.done $0x0;
	s18 =	sshll.u32 s17, $0xE  }
0x35: {  	[sflag:s5] =	ssyncadd.s32 $0xFFFFC000;
	s20 =	sor.u32 $0x40, s18  }
0x36: {  	s17 =	smul.u32 $0x10200, s17;
	v0 =	vld [tilespmem:s20+$0x30]  }
0x37: {  	v3 =	vld [tilespmem:s20+$0xFFFFFFD0]  }
0x38: {  	s17 =	sshrl.u32 s17, $0x2;
	v4 =	vld [tilespmem:s20+$0xFFFFFFE0]  }
0x39: {  	v5 =	vld [tilespmem:s20+$0xFFFFFFF0];
	s18 =	sor.u32 $0x8000, s17  }
0x3a: {  	s31 =	sand.u32 $0x1, s13;
	v1 =	vld [tilespmem:s20+$0x0];
	s19 =	sadd.s32 $0x0, s18  }
0x3b: {  	v2 =	vld [tilespmem:s20+$0x10];
	s17 =	smul.u32 $0x10200, s31;
	[tilespmem:s19+$0x3870 ss:$0x81] =	vst.msk $0xffff, v0  }
0x3c: {  	[tilespmem:s19+$0x810 ss:$0x81] =	vst.msk $0xffff, v3;
	v3 =	vld [tilespmem:s20+$0x20]  }
0x3d: {  	s17 =	sshrl.u32 s17, $0x2;
	v0 =	vld [tilespmem:s20+$0xFFFFFFC0];
	[tilespmem:s19+$0x1020 ss:$0x81] =	vst.msk $0xffff, v4;
	s20 =	sadd.s32 $0x80, s20  }
0x3e: {  	s21 =	simm.s32 $0x4;
	s22 =	simm.s32 $0x8;
	s17 =	sor.u32 $0x8000, s17;
	[tilespmem:s19+$0x1830 ss:$0x81] =	vst.msk $0xffff, v5;
	v4 =	vld [tilespmem:s20+$0x30]  }
.LBB1_3:
0x3f: {  	p1 =	sne.s32 s22, $0x1FC;
	v5 =	vld [tilespmem:s20+$0xFFFFFFD0];
	[tilespmem:s19+$0x2040 ss:$0x81] =	vst.msk $0xffff, v1  }
0x40: {  	v6 =	vld [tilespmem:s20+$0xFFFFFFE0];
	[tilespmem:s19+$0x2850 ss:$0x81] =	vst.msk $0xffff, v2  }
0x41: {  	s23 =	sshra.s32 s21, $0x2;
	s21 =	smov.u32 s22;
	v7 =	vld [tilespmem:s20+$0xFFFFFFF0];
	[tilespmem:s19+$0x3060 ss:$0x81] =	vst.msk $0xffff, v3  }
.Ltmp3:
0x42: {  	v1 =	vld [tilespmem:s20+$0x0];
	[tilespmem:s19+$0x0 ss:$0x81] =	vst.msk $0xffff, v0;
	s19 =	sadd.s32 s23, s18;
	(pc) =	sbr.rel @p1 .LBB1_3-.Ltmp3, $4  }
0x43: {  	v2 =	vld [tilespmem:s20+$0x10];
	[tilespmem:s19+$0x3870 ss:$0x81] =	vst.msk $0xffff, v4  }
0x44: {  	[tilespmem:s19+$0x810 ss:$0x81] =	vst.msk $0xffff, v5;
	v3 =	vld [tilespmem:s20+$0x20]  }
0x45: {  	v0 =	vld [tilespmem:s20+$0xFFFFFFC0];
	[tilespmem:s19+$0x1020 ss:$0x81] =	vst.msk $0xffff, v6;
	s20 =	sadd.s32 $0x80, s20  }
0x46: {  	s22 =	sadd.s32 $0x4, s22;
	v4 =	vld [tilespmem:s20+$0x30];
	[tilespmem:s19+$0x1830 ss:$0x81] =	vst.msk $0xffff, v7  }
.Ltmp4:
0x47: {  	_ = 	snop;
	(pc) =	sbr.rel .LBB1_4-.Ltmp4, $1  }
0x48: {  	_ =	sdelay $0x3  }
.LBB1_6:
0x49: {  	_ =	sfence.sel $0x180000  }
0x4a: {  	s1 =	simm.s32 $0x1;
	[bflag:$0x0] =	sbarrier.arrive $0xFFFF  }
0x4b: {  	s31 =	simm.s32 $0x2;
	[sflag:s1] =	ssyncpa.u1 $0x1  }
0x4c: {  	[sflag:s31] =	ssyncpa.u1 $0x1  }
0x4d: {  	p0 =	sne.s32 s0, $0x0;
	_ =	strace $0x9000004A  }
0x4e: {  	s0 =	sadd.s32 @!p0 $0x100000, s3;
	[bflag:$0x2] =	sbarrier.arrive $0xFFFF  }
0x4f: {  	[sflag:s0] =	ssyncadd.tile.s32 @!p0 $0x1;
	_ =	shalt  }
.Lfunc_end1:
_tile_overlayer_lowered:
.L_overlay_start_2:
0x50: {  	(tag) =	ssettag $0x2  }
0x51: {  	s0 =	rddreg [dreg:$0x0];
	s2 =	stileid.u32  }
0x52: {  	s1 =	rddreg [dreg:$0x1];
	p0 =	sne.s32 s2, $0x0  }
0x53: {  	s3 =	rddreg [dreg:$0x2];
	[bflag:$0x3] =	sbarrier.arrive $0xFFFF;
	s2 =	simm.s32 @!p0 $0x1C01  }
0x54: {  	[timem:s3], [sflag:s2] =	dma.local @!p0 [hbm:s0], s1  }
0x55: {  	s0 =	simm.s32 @!p0 $0x1  }
0x56: {  	_ =	swait.ge @!p0 [sflag:s0], s1  }
0x57: {  	s1 =	ssub.s32 @!p0 $0x0, s1;
	[sflag:s0] =	ssyncset.done @!p0 $0x0  }
0x58: {  	[sflag:s0] =	ssyncadd.s32 @!p0 s1  }
0x59: {  	[bflag:$0x3] =	sbarrier.arrive $0xFFFF  }
0x5a: {  	_ =	shalt  }

</sc_bundles>
